<compile_context>
chip_gen: v7x
topology: tpu7x:2x2x1
jax: 0.10.2.dev20260603
libtpu: 0.0.44.dev20260713+nightly
codegen_flags: <defaults>
</compile_context>

<pallas_src>
import functools

import jax
import jax.numpy as jnp
from jax import lax
from jax.experimental import pallas as pl
from jax.experimental.pallas import tpu as pltpu
from jax.experimental.pallas import tpu_sc as plsc


def kernel(categorical_features, emb_tables):
    B, F = categorical_features.shape
    Ft, V, D = emb_tables.shape
    assert Ft == F

    tabT = emb_tables.transpose(2, 0, 1)
    idxT = categorical_features.astype(jnp.int32).T

    info = plsc.get_sparse_core_info()
    NC, NS, L = info.num_cores, info.num_subcores, info.num_lanes
    NW = NC * NS
    NT = F * D
    BH = 4096
    NH = B // BH
    assert B % BH == 0 and BH % L == 0 and NH >= 2

    mesh = plsc.VectorSubcoreMesh(core_axis_name="c", subcore_axis_name="s")

    @functools.partial(
        pl.kernel,
        mesh=mesh,
        out_type=jax.ShapeDtypeStruct((NT, B), jnp.float32),
        scratch_types=[
            pltpu.VMEM((B,), jnp.int32),
            pltpu.VMEM((V,), jnp.float32),
            pltpu.VMEM((BH,), jnp.float32),
            pltpu.VMEM((BH,), jnp.float32),
            pltpu.SemaphoreType.DMA,
            pltpu.SemaphoreType.DMA,
            pltpu.SemaphoreType.DMA,
        ],
        compiler_params=pltpu.CompilerParams(needs_layout_passes=False),
    )
    def sc_lookup(
        idx_hbm, tab_hbm, out_hbm, idx_v, row_v, out_v0, out_v1,
        sem_t, sem_o0, sem_o1,
    ):
        wid = lax.axis_index("s") * NC + lax.axis_index("c")
        lo = (wid * NT) // NW
        hi = ((wid + 1) * NT) // NW

        def task(t, prev_f):
            f = t // D
            d = t - f * D
            lane_cp = pltpu.async_copy(tab_hbm.at[d, f], row_v, sem_t)

            @pl.when(f != prev_f)
            def _():
                pltpu.sync_copy(idx_hbm.at[f], idx_v)

            lane_cp.wait()

            for h in range(NH):
                buf = out_v0 if h % 2 == 0 else out_v1
                sem = sem_o0 if h % 2 == 0 else sem_o1
                g = (t - lo) * NH + h

                @pl.when(g >= 2)
                def _():
                    pltpu.make_async_copy(
                        buf, out_hbm.at[t, pl.ds(h * BH, BH)], sem
                    ).wait()

                @plsc.parallel_loop(0, BH // L, unroll=16)
                def gather_vec(j):
                    vec_idx = idx_v[pl.ds(h * BH + j * L, L)]
                    buf[pl.ds(j * L, L)] = plsc.load_gather(row_v, [vec_idx])

                pltpu.async_copy(buf, out_hbm.at[t, pl.ds(h * BH, BH)], sem)
            return f

        lax.fori_loop(lo, hi, task, -1)

        @pl.when(hi > lo)
        def _():
            pltpu.make_async_copy(
                out_v0, out_hbm.at[0, pl.ds(0, BH)], sem_o0
            ).wait()
            pltpu.make_async_copy(
                out_v1, out_hbm.at[0, pl.ds(0, BH)], sem_o1
            ).wait()

    out = sc_lookup(idxT, tabT)
    return out.T

# --- scband reference (transcript-rebuilt; emitter-appended) ---
"""Pipeline reference for scband-rec-model-15874199126058 (READ-ONLY COPY).

The authoritative reference and input builder live on the scoring server;
editing this copy changes nothing except your own understanding.
"""

import jax, jax.numpy as jnp
import numpy as np

BATCH = 16384
N_FIELDS = 26
VOCAB = 100000
EMB_DIM = 6

def setup_inputs(seed: int = 0) -> dict:
    key = jax.random.key(seed)
    k_idx, k_emb = jax.random.split(key)
    categorical_features = jax.random.randint(k_idx, (BATCH, N_FIELDS), 0, VOCAB, dtype=jnp.int64)
    emb_tables = jax.random.normal(k_emb, (N_FIELDS, VOCAB, EMB_DIM), dtype=jnp.float32)
    return {"categorical_features": categorical_features, "emb_tables": emb_tables}

def reference(categorical_features, emb_tables):
    # Faithful translation of RecModel.get_feature_embeddings(batch, concat=True)
    # Each field i has its own embedding table emb_tables[i]; lookup column i of indices.
    embeddings = []
    n_fields = emb_tables.shape[0]
    for i in range(n_fields):
        feature_column = categorical_features[:, i]
        embedded_column = jnp.take(emb_tables[i], feature_column, axis=0)  # [B, EMB_DIM]
        embeddings.append(embedded_column)
    stacked = jnp.stack(embeddings, axis=1)  # [B, F, EMB_DIM]
    # squeeze() is a no-op here since B>1, F>1, EMB_DIM>1
    emb_in_size = n_fields * emb_tables.shape[2]
    out = stacked.reshape(-1, emb_in_size)  # [B, F*EMB_DIM]
    return out

if __name__ == "__main__":
    import jax
    _d = setup_inputs()
    print(jax.jit(kernel)(*tuple(_d.values())))

</pallas_src>

<mosaic_0001>
#map = affine_map<(d0, d1) -> (0, 0)>
#map1 = affine_map<(d0, d1) -> (0, 0, 0)>
module attributes {stable_mosaic.version = 14 : i64} {
  func.func @sc_lookup(%arg0: i32, %arg1: i32, %arg2: memref<26x16384xi32, #tpu.memory_space<hbm>>, %arg3: memref<6x26x100000xf32, #tpu.memory_space<hbm>>, %arg4: memref<156x16384xf32, #tpu.memory_space<hbm>>, %arg5: memref<16384xi32, #tpu.memory_space<vmem>>, %arg6: memref<100000xf32, #tpu.memory_space<vmem>>, %arg7: memref<4096xf32, #tpu.memory_space<vmem>>, %arg8: memref<4096xf32, #tpu.memory_space<vmem>>, %arg9: memref<!tpu.dma_semaphore, #tpu.memory_space<semaphore_mem>>, %arg10: memref<!tpu.dma_semaphore, #tpu.memory_space<semaphore_mem>>, %arg11: memref<!tpu.dma_semaphore, #tpu.memory_space<semaphore_mem>>) attributes {dimension_semantics = [#tpu.dimension_semantics<core_parallel>, #tpu.dimension_semantics<subcore_parallel>], iteration_bounds = array<i64: 2, 16>, scalar_prefetch = 0 : i64, scratch_operands = 7 : i64, tpu.core_type = #tpu.core_type<sc_vector_subcore>, window_params = [{transform_indices = #map}, {transform_indices = #map1}, {transform_indices = #map}]} {
    %mul3A = arith.constant 2 : i32
    %mul3A_0 = arith.muli %arg1, %mul3A : i32
    %add3A = arith.addi %mul3A_0, %arg0 : i32
    %mul3A_1 = arith.constant 156 : i32
    %mul3A_2 = arith.muli %add3A, %mul3A_1 : i32
    %jit3A = arith.constant 32 : i32
    %div3A = arith.divsi %mul3A_2, %jit3A : i32
    %sign3A = arith.constant 0 : i32
    %sign3A_3 = arith.cmpi sgt, %mul3A_2, %sign3A : i32
    %sign3A_4 = arith.extui %sign3A_3 : i1 to i32
    %sign3A_5 = arith.constant 0 : i32
    %sign3A_6 = arith.cmpi slt, %mul3A_2, %sign3A_5 : i32
    %sign3A_7 = arith.extui %sign3A_6 : i1 to i32
    %sign3A_8 = arith.subi %sign3A_4, %sign3A_7 : i32
    %sign3A_9 = arith.constant 0 : i32
    %sign3A_10 = arith.cmpi sgt, %jit3A, %sign3A_9 : i32
    %sign3A_11 = arith.extui %sign3A_10 : i1 to i32
    %sign3A_12 = arith.constant 0 : i32
    %sign3A_13 = arith.cmpi slt, %jit3A, %sign3A_12 : i32
    %sign3A_14 = arith.extui %sign3A_13 : i1 to i32
    %sign3A_15 = arith.subi %sign3A_11, %sign3A_14 : i32
    %ne3A = arith.cmpi ne, %sign3A_8, %sign3A_15 : i32
    %rem3A = arith.remsi %mul3A_2, %jit3A : i32
    %ne3A_16 = arith.constant 0 : i32
    %ne3A_17 = arith.cmpi ne, %rem3A, %ne3A_16 : i32
    %and3A = arith.andi %ne3A, %ne3A_17 : i1
    %sub3A = arith.constant 1 : i32
    %sub3A_18 = arith.subi %div3A, %sub3A : i32
    %select_n3A = arith.select %and3A, %sub3A_18, %div3A : i32
    %add3A_19 = arith.constant 1 : i32
    %add3A_20 = arith.addi %add3A, %add3A_19 : i32
    %mul3A_21 = arith.constant 156 : i32
    %mul3A_22 = arith.muli %add3A_20, %mul3A_21 : i32
    %jit3A_23 = arith.constant 32 : i32
    %div3A_24 = arith.divsi %mul3A_22, %jit3A_23 : i32
    %sign3A_25 = arith.constant 0 : i32
    %sign3A_26 = arith.cmpi sgt, %mul3A_22, %sign3A_25 : i32
    %sign3A_27 = arith.extui %sign3A_26 : i1 to i32
    %sign3A_28 = arith.constant 0 : i32
    %sign3A_29 = arith.cmpi slt, %mul3A_22, %sign3A_28 : i32
    %sign3A_30 = arith.extui %sign3A_29 : i1 to i32
    %sign3A_31 = arith.subi %sign3A_27, %sign3A_30 : i32
    %sign3A_32 = arith.constant 0 : i32
    %sign3A_33 = arith.cmpi sgt, %jit3A_23, %sign3A_32 : i32
    %sign3A_34 = arith.extui %sign3A_33 : i1 to i32
    %sign3A_35 = arith.constant 0 : i32
    %sign3A_36 = arith.cmpi slt, %jit3A_23, %sign3A_35 : i32
    %sign3A_37 = arith.extui %sign3A_36 : i1 to i32
    %sign3A_38 = arith.subi %sign3A_34, %sign3A_37 : i32
    %ne3A_39 = arith.cmpi ne, %sign3A_31, %sign3A_38 : i32
    %rem3A_40 = arith.remsi %mul3A_22, %jit3A_23 : i32
    %ne3A_41 = arith.constant 0 : i32
    %ne3A_42 = arith.cmpi ne, %rem3A_40, %ne3A_41 : i32
    %and3A_43 = arith.andi %ne3A_39, %ne3A_42 : i1
    %sub3A_44 = arith.constant 1 : i32
    %sub3A_45 = arith.subi %div3A_24, %sub3A_44 : i32
    %select_n3A_46 = arith.select %and3A_43, %sub3A_45, %div3A_24 : i32
    %while3A = arith.constant -1 : i32
    %while3A_47 = arith.subi %select_n3A_46, %select_n3A : i32
    %while3A_48 = arith.addi %select_n3A, %while3A_47 : i32
    %while3A_49 = arith.constant 1 : i32
    %while3A_50 = arith.divsi %while3A_47, %while3A_49 : i32
    %while3A_51 = arith.muli %while3A_50, %while3A_49 : i32
    %while3A_52 = arith.addi %select_n3A, %while3A_51 : i32
    %while3A_53 = arith.constant 1 : i32
    %while3A_54 = scf.for %while3A_58 = %select_n3A to %while3A_52 step %while3A_53 iter_args(%while3A_59 = %while3A) -> (i32)  : i32 {
      %jit3A_60 = arith.constant 6 : i32
      %div3A_61 = arith.divsi %while3A_58, %jit3A_60 : i32
      %sign3A_62 = arith.constant 0 : i32
      %sign3A_63 = arith.cmpi sgt, %while3A_58, %sign3A_62 : i32
      %sign3A_64 = arith.extui %sign3A_63 : i1 to i32
      %sign3A_65 = arith.constant 0 : i32
      %sign3A_66 = arith.cmpi slt, %while3A_58, %sign3A_65 : i32
      %sign3A_67 = arith.extui %sign3A_66 : i1 to i32
      %sign3A_68 = arith.subi %sign3A_64, %sign3A_67 : i32
      %sign3A_69 = arith.constant 0 : i32
      %sign3A_70 = arith.cmpi sgt, %jit3A_60, %sign3A_69 : i32
      %sign3A_71 = arith.extui %sign3A_70 : i1 to i32
      %sign3A_72 = arith.constant 0 : i32
      %sign3A_73 = arith.cmpi slt, %jit3A_60, %sign3A_72 : i32
      %sign3A_74 = arith.extui %sign3A_73 : i1 to i32
      %sign3A_75 = arith.subi %sign3A_71, %sign3A_74 : i32
      %ne3A_76 = arith.cmpi ne, %sign3A_68, %sign3A_75 : i32
      %rem3A_77 = arith.remsi %while3A_58, %jit3A_60 : i32
      %ne3A_78 = arith.constant 0 : i32
      %ne3A_79 = arith.cmpi ne, %rem3A_77, %ne3A_78 : i32
      %and3A_80 = arith.andi %ne3A_76, %ne3A_79 : i1
      %sub3A_81 = arith.constant 1 : i32
      %sub3A_82 = arith.subi %div3A_61, %sub3A_81 : i32
      %select_n3A_83 = arith.select %and3A_80, %sub3A_82, %div3A_61 : i32
      %mul3A_84 = arith.constant 6 : i32
      %mul3A_85 = arith.muli %select_n3A_83, %mul3A_84 : i32
      %sub3A_86 = arith.subi %while3A_58, %mul3A_85 : i32
      %dma_start3A = arith.constant 0 : i32
      %dma_start3A_87 = tpu.memref_slice %arg3[%sub3A_86, %select_n3A_83, %dma_start3A] : memref<6x26x100000xf32, #tpu.memory_space<hbm>> -> memref<1x1x100000xf32, #tpu.memory_space<hbm>>
      %dma_start3A_88 = tpu.memref_squeeze %dma_start3A_87 : memref<1x1x100000xf32, #tpu.memory_space<hbm>> -> memref<100000xf32, #tpu.memory_space<hbm>>
      %dma_start3A_89 = arith.constant 0 : i32
      %dma_start3A_90 = tpu.memref_slice %arg3[%sub3A_86, %select_n3A_83, %dma_start3A_89] : memref<6x26x100000xf32, #tpu.memory_space<hbm>> -> memref<1x1x100000xf32, #tpu.memory_space<hbm>>
      %dma_start3A_91 = tpu.memref_squeeze %dma_start3A_90 : memref<1x1x100000xf32, #tpu.memory_space<hbm>> -> memref<100000xf32, #tpu.memory_space<hbm>>
      tpu.enqueue_dma source(%dma_start3A_91 : memref<100000xf32, #tpu.memory_space<hbm>>) target(%arg6 : memref<100000xf32, #tpu.memory_space<vmem>>) target_semaphore(%arg9 : memref<!tpu.dma_semaphore, #tpu.memory_space<semaphore_mem>>)
      %ne3A_92 = arith.cmpi ne, %select_n3A_83, %while3A_59 : i32
      %convert_element_type3A_93 = arith.extui %ne3A_92 : i1 to i32
      %cond3A_94 = arith.constant 0 : i32
      %cond3A_95 = arith.cmpi ne, %convert_element_type3A_93, %cond3A_94 : i32
      scf.if %cond3A_95 {
        "tpu.region"() ({
          %run_scoped3A = tpu.sem_alloc : memref<!tpu.dma_semaphore, #tpu.memory_space<semaphore_mem>>
          %dma_start3A_175 = arith.constant 0 : i32
          %dma_start3A_176 = tpu.memref_slice %arg2[%select_n3A_83, %dma_start3A_175] : memref<26x16384xi32, #tpu.memory_space<hbm>> -> memref<1x16384xi32, #tpu.memory_space<hbm>>
          %dma_start3A_177 = tpu.memref_squeeze %dma_start3A_176 : memref<1x16384xi32, #tpu.memory_space<hbm>> -> memref<16384xi32, #tpu.memory_space<hbm>>
          %dma_start3A_178 = arith.constant 0 : i32
          %dma_start3A_179 = tpu.memref_slice %arg2[%select_n3A_83, %dma_start3A_178] : memref<26x16384xi32, #tpu.memory_space<hbm>> -> memref<1x16384xi32, #tpu.memory_space<hbm>>
          %dma_start3A_180 = tpu.memref_squeeze %dma_start3A_179 : memref<1x16384xi32, #tpu.memory_space<hbm>> -> memref<16384xi32, #tpu.memory_space<hbm>>
          tpu.enqueue_dma source(%dma_start3A_180 : memref<16384xi32, #tpu.memory_space<hbm>>) target(%arg5 : memref<16384xi32, #tpu.memory_space<vmem>>) target_semaphore(%run_scoped3A : memref<!tpu.dma_semaphore, #tpu.memory_space<semaphore_mem>>)
          %dma_wait3A_181 = arith.constant 0 : i32
          %dma_wait3A_182 = tpu.memref_slice %arg2[%select_n3A_83, %dma_wait3A_181] : memref<26x16384xi32, #tpu.memory_space<hbm>> -> memref<1x16384xi32, #tpu.memory_space<hbm>>
          %dma_wait3A_183 = tpu.memref_squeeze %dma_wait3A_182 : memref<1x16384xi32, #tpu.memory_space<hbm>> -> memref<16384xi32, #tpu.memory_space<hbm>>
          %dma_wait3A_184 = arith.constant 0 : i32
          %dma_wait3A_185 = tpu.memref_slice %arg2[%select_n3A_83, %dma_wait3A_184] : memref<26x16384xi32, #tpu.memory_space<hbm>> -> memref<1x16384xi32, #tpu.memory_space<hbm>>
          %dma_wait3A_186 = tpu.memref_squeeze %dma_wait3A_185 : memref<1x16384xi32, #tpu.memory_space<hbm>> -> memref<16384xi32, #tpu.memory_space<hbm>>
          tpu.wait_dma2 semaphore(%run_scoped3A : memref<!tpu.dma_semaphore, #tpu.memory_space<semaphore_mem>>) src(%dma_wait3A_186 : memref<16384xi32, #tpu.memory_space<hbm>>) dst(%arg5 : memref<16384xi32, #tpu.memory_space<vmem>>)
          tpu.yield
        }) : () -> ()
      } else {
      }
      %dma_wait3A = arith.constant 0 : i32
      %dma_wait3A_96 = tpu.memref_slice %arg3[%sub3A_86, %select_n3A_83, %dma_wait3A] : memref<6x26x100000xf32, #tpu.memory_space<hbm>> -> memref<1x1x100000xf32, #tpu.memory_space<hbm>>
      %dma_wait3A_97 = tpu.memref_squeeze %dma_wait3A_96 : memref<1x1x100000xf32, #tpu.memory_space<hbm>> -> memref<100000xf32, #tpu.memory_space<hbm>>
      %dma_wait3A_98 = arith.constant 0 : i32
      %dma_wait3A_99 = tpu.memref_slice %arg3[%sub3A_86, %select_n3A_83, %dma_wait3A_98] : memref<6x26x100000xf32, #tpu.memory_space<hbm>> -> memref<1x1x100000xf32, #tpu.memory_space<hbm>>
      %dma_wait3A_100 = tpu.memref_squeeze %dma_wait3A_99 : memref<1x1x100000xf32, #tpu.memory_space<hbm>> -> memref<100000xf32, #tpu.memory_space<hbm>>
      tpu.wait_dma2 semaphore(%arg9 : memref<!tpu.dma_semaphore, #tpu.memory_space<semaphore_mem>>) src(%dma_wait3A_100 : memref<100000xf32, #tpu.memory_space<hbm>>) dst(%arg6 : memref<100000xf32, #tpu.memory_space<vmem>>)
      %sub3A_101 = arith.subi %while3A_58, %select_n3A : i32
      %mul3A_102 = arith.constant 4 : i32
      %mul3A_103 = arith.muli %sub3A_101, %mul3A_102 : i32
      %add3A_104 = arith.constant 0 : i32
      %add3A_105 = arith.addi %mul3A_103, %add3A_104 : i32
      %ge3A = arith.constant 2 : i32
      %ge3A_106 = arith.cmpi sge, %add3A_105, %ge3A : i32
      %convert_element_type3A_107 = arith.extui %ge3A_106 : i1 to i32
      %cond3A_108 = arith.constant 0 : i32
      %cond3A_109 = arith.cmpi ne, %convert_element_type3A_107, %cond3A_108 : i32
      scf.if %cond3A_109 {
        %dma_wait3A_175 = arith.constant 0 : i32
        %dma_wait3A_176 = tpu.memref_slice %arg4[%while3A_58, %dma_wait3A_175] : memref<156x16384xf32, #tpu.memory_space<hbm>> -> memref<1x4096xf32, #tpu.memory_space<hbm>>
        %dma_wait3A_177 = tpu.memref_squeeze %dma_wait3A_176 : memref<1x4096xf32, #tpu.memory_space<hbm>> -> memref<4096xf32, #tpu.memory_space<hbm>>
        %dma_wait3A_178 = arith.constant 0 : i32
        %dma_wait3A_179 = tpu.memref_slice %arg4[%while3A_58, %dma_wait3A_178] : memref<156x16384xf32, #tpu.memory_space<hbm>> -> memref<1x4096xf32, #tpu.memory_space<hbm>>
        %dma_wait3A_180 = tpu.memref_squeeze %dma_wait3A_179 : memref<1x4096xf32, #tpu.memory_space<hbm>> -> memref<4096xf32, #tpu.memory_space<hbm>>
        tpu.wait_dma2 semaphore(%arg10 : memref<!tpu.dma_semaphore, #tpu.memory_space<semaphore_mem>>) src(%arg7 : memref<4096xf32, #tpu.memory_space<vmem>>) dst(%dma_wait3A_180 : memref<4096xf32, #tpu.memory_space<hbm>>)
      } else {
      }
      %parallel_loop3A = arith.constant 0 : i32
      %parallel_loop3A_110 = arith.constant 256 : i32
      %parallel_loop3A_111 = arith.constant 1 : i32
      scf.for %parallel_loop3A_175 = %parallel_loop3A to %parallel_loop3A_110 step %parallel_loop3A_111  : i32 {
        %parallel_loop3A_176 = arith.constant 16 : i32
        %parallel_loop3A_177 = arith.muli %parallel_loop3A_175, %parallel_loop3A_176 : i32
        %parallel_loop3A_178 = arith.constant 0 : i32
        %parallel_loop3A_179 = arith.addi %parallel_loop3A_178, %parallel_loop3A_177 : i32
        %parallel_loop3A_180 = arith.index_cast %parallel_loop3A_179 : i32 to index
        %parallel_loop3A_181 = tpu.vector_load %arg5[%parallel_loop3A_180] {strides = array<i32>} : memref<16384xi32, #tpu.memory_space<vmem>>, vector<16xi32>,
        %parallel_loop3A_182 = tpu.vector_load_idx %arg6[%parallel_loop3A_181] : memref<100000xf32, #tpu.memory_space<vmem>>[vector<16xi32>], vector<16xf32>,
        %parallel_loop3A_183 = arith.constant 16 : i32
        %parallel_loop3A_184 = arith.muli %parallel_loop3A_175, %parallel_loop3A_183 : i32
        %parallel_loop3A_185 = arith.index_cast %parallel_loop3A_184 : i32 to index
        %parallel_loop3A_186 = tpu.vector_load %arg7[%parallel_loop3A_185] {strides = array<i32>} : memref<4096xf32, #tpu.memory_space<vmem>>, vector<16xf32>,
        tpu.vector_store %arg7[%parallel_loop3A_185], %parallel_loop3A_182 {strides = array<i32>} : memref<4096xf32, #tpu.memory_space<vmem>>, vector<16xf32>,
      } {sc.loop_unroll_factor = 16 : i64, sc.parallel_access}
      %dma_start3A_112 = arith.constant 0 : i32
      %dma_start3A_113 = tpu.memref_slice %arg4[%while3A_58, %dma_start3A_112] : memref<156x16384xf32, #tpu.memory_space<hbm>> -> memref<1x4096xf32, #tpu.memory_space<hbm>>
      %dma_start3A_114 = tpu.memref_squeeze %dma_start3A_113 : memref<1x4096xf32, #tpu.memory_space<hbm>> -> memref<4096xf32, #tpu.memory_space<hbm>>
      %dma_start3A_115 = arith.constant 0 : i32
      %dma_start3A_116 = tpu.memref_slice %arg4[%while3A_58, %dma_start3A_115] : memref<156x16384xf32, #tpu.memory_space<hbm>> -> memref<1x4096xf32, #tpu.memory_space<hbm>>
      %dma_start3A_117 = tpu.memref_squeeze %dma_start3A_116 : memref<1x4096xf32, #tpu.memory_space<hbm>> -> memref<4096xf32, #tpu.memory_space<hbm>>
      tpu.enqueue_dma source(%arg7 : memref<4096xf32, #tpu.memory_space<vmem>>) target(%dma_start3A_117 : memref<4096xf32, #tpu.memory_space<hbm>>) target_semaphore(%arg10 : memref<!tpu.dma_semaphore, #tpu.memory_space<semaphore_mem>>)
      %sub3A_118 = arith.subi %while3A_58, %select_n3A : i32
      %mul3A_119 = arith.constant 4 : i32
      %mul3A_120 = arith.muli %sub3A_118, %mul3A_119 : i32
      %add3A_121 = arith.constant 1 : i32
      %add3A_122 = arith.addi %mul3A_120, %add3A_121 : i32
      %ge3A_123 = arith.constant 2 : i32
      %ge3A_124 = arith.cmpi sge, %add3A_122, %ge3A_123 : i32
      %convert_element_type3A_125 = arith.extui %ge3A_124 : i1 to i32
      %cond3A_126 = arith.constant 0 : i32
      %cond3A_127 = arith.cmpi ne, %convert_element_type3A_125, %cond3A_126 : i32
      scf.if %cond3A_127 {
        %dma_wait3A_175 = arith.constant 4096 : i32
        %dma_wait3A_176 = tpu.memref_slice %arg4[%while3A_58, %dma_wait3A_175] : memref<156x16384xf32, #tpu.memory_space<hbm>> -> memref<1x4096xf32, #tpu.memory_space<hbm>>
        %dma_wait3A_177 = tpu.memref_squeeze %dma_wait3A_176 : memref<1x4096xf32, #tpu.memory_space<hbm>> -> memref<4096xf32, #tpu.memory_space<hbm>>
        %dma_wait3A_178 = arith.constant 4096 : i32
        %dma_wait3A_179 = tpu.memref_slice %arg4[%while3A_58, %dma_wait3A_178] : memref<156x16384xf32, #tpu.memory_space<hbm>> -> memref<1x4096xf32, #tpu.memory_space<hbm>>
        %dma_wait3A_180 = tpu.memref_squeeze %dma_wait3A_179 : memref<1x4096xf32, #tpu.memory_space<hbm>> -> memref<4096xf32, #tpu.memory_space<hbm>>
        tpu.wait_dma2 semaphore(%arg11 : memref<!tpu.dma_semaphore, #tpu.memory_space<semaphore_mem>>) src(%arg8 : memref<4096xf32, #tpu.memory_space<vmem>>) dst(%dma_wait3A_180 : memref<4096xf32, #tpu.memory_space<hbm>>)
      } else {
      }
      %parallel_loop3A_128 = arith.constant 0 : i32
      %parallel_loop3A_129 = arith.constant 256 : i32
      %parallel_loop3A_130 = arith.constant 1 : i32
      scf.for %parallel_loop3A_175 = %parallel_loop3A_128 to %parallel_loop3A_129 step %parallel_loop3A_130  : i32 {
        %parallel_loop3A_176 = arith.constant 16 : i32
        %parallel_loop3A_177 = arith.muli %parallel_loop3A_175, %parallel_loop3A_176 : i32
        %parallel_loop3A_178 = arith.constant 4096 : i32
        %parallel_loop3A_179 = arith.addi %parallel_loop3A_178, %parallel_loop3A_177 : i32
        %parallel_loop3A_180 = arith.index_cast %parallel_loop3A_179 : i32 to index
        %parallel_loop3A_181 = tpu.vector_load %arg5[%parallel_loop3A_180] {strides = array<i32>} : memref<16384xi32, #tpu.memory_space<vmem>>, vector<16xi32>,
        %parallel_loop3A_182 = tpu.vector_load_idx %arg6[%parallel_loop3A_181] : memref<100000xf32, #tpu.memory_space<vmem>>[vector<16xi32>], vector<16xf32>,
        %parallel_loop3A_183 = arith.constant 16 : i32
        %parallel_loop3A_184 = arith.muli %parallel_loop3A_175, %parallel_loop3A_183 : i32
        %parallel_loop3A_185 = arith.index_cast %parallel_loop3A_184 : i32 to index
        %parallel_loop3A_186 = tpu.vector_load %arg8[%parallel_loop3A_185] {strides = array<i32>} : memref<4096xf32, #tpu.memory_space<vmem>>, vector<16xf32>,
        tpu.vector_store %arg8[%parallel_loop3A_185], %parallel_loop3A_182 {strides = array<i32>} : memref<4096xf32, #tpu.memory_space<vmem>>, vector<16xf32>,
      } {sc.loop_unroll_factor = 16 : i64, sc.parallel_access}
      %dma_start3A_131 = arith.constant 4096 : i32
      %dma_start3A_132 = tpu.memref_slice %arg4[%while3A_58, %dma_start3A_131] : memref<156x16384xf32, #tpu.memory_space<hbm>> -> memref<1x4096xf32, #tpu.memory_space<hbm>>
      %dma_start3A_133 = tpu.memref_squeeze %dma_start3A_132 : memref<1x4096xf32, #tpu.memory_space<hbm>> -> memref<4096xf32, #tpu.memory_space<hbm>>
      %dma_start3A_134 = arith.constant 4096 : i32
      %dma_start3A_135 = tpu.memref_slice %arg4[%while3A_58, %dma_start3A_134] : memref<156x16384xf32, #tpu.memory_space<hbm>> -> memref<1x4096xf32, #tpu.memory_space<hbm>>
      %dma_start3A_136 = tpu.memref_squeeze %dma_start3A_135 : memref<1x4096xf32, #tpu.memory_space<hbm>> -> memref<4096xf32, #tpu.memory_space<hbm>>
      tpu.enqueue_dma source(%arg8 : memref<4096xf32, #tpu.memory_space<vmem>>) target(%dma_start3A_136 : memref<4096xf32, #tpu.memory_space<hbm>>) target_semaphore(%arg11 : memref<!tpu.dma_semaphore, #tpu.memory_space<semaphore_mem>>)
      %sub3A_137 = arith.subi %while3A_58, %select_n3A : i32
      %mul3A_138 = arith.constant 4 : i32
      %mul3A_139 = arith.muli %sub3A_137, %mul3A_138 : i32
      %add3A_140 = arith.constant 2 : i32
      %add3A_141 = arith.addi %mul3A_139, %add3A_140 : i32
      %ge3A_142 = arith.constant 2 : i32
      %ge3A_143 = arith.cmpi sge, %add3A_141, %ge3A_142 : i32
      %convert_element_type3A_144 = arith.extui %ge3A_143 : i1 to i32
      %cond3A_145 = arith.constant 0 : i32
      %cond3A_146 = arith.cmpi ne, %convert_element_type3A_144, %cond3A_145 : i32
      scf.if %cond3A_146 {
        %dma_wait3A_175 = arith.constant 8192 : i32
        %dma_wait3A_176 = tpu.memref_slice %arg4[%while3A_58, %dma_wait3A_175] : memref<156x16384xf32, #tpu.memory_space<hbm>> -> memref<1x4096xf32, #tpu.memory_space<hbm>>
        %dma_wait3A_177 = tpu.memref_squeeze %dma_wait3A_176 : memref<1x4096xf32, #tpu.memory_space<hbm>> -> memref<4096xf32, #tpu.memory_space<hbm>>
        %dma_wait3A_178 = arith.constant 8192 : i32
        %dma_wait3A_179 = tpu.memref_slice %arg4[%while3A_58, %dma_wait3A_178] : memref<156x16384xf32, #tpu.memory_space<hbm>> -> memref<1x4096xf32, #tpu.memory_space<hbm>>
        %dma_wait3A_180 = tpu.memref_squeeze %dma_wait3A_179 : memref<1x4096xf32, #tpu.memory_space<hbm>> -> memref<4096xf32, #tpu.memory_space<hbm>>
        tpu.wait_dma2 semaphore(%arg10 : memref<!tpu.dma_semaphore, #tpu.memory_space<semaphore_mem>>) src(%arg7 : memref<4096xf32, #tpu.memory_space<vmem>>) dst(%dma_wait3A_180 : memref<4096xf32, #tpu.memory_space<hbm>>)
      } else {
      }
      %parallel_loop3A_147 = arith.constant 0 : i32
      %parallel_loop3A_148 = arith.constant 256 : i32
      %parallel_loop3A_149 = arith.constant 1 : i32
      scf.for %parallel_loop3A_175 = %parallel_loop3A_147 to %parallel_loop3A_148 step %parallel_loop3A_149  : i32 {
        %parallel_loop3A_176 = arith.constant 16 : i32
        %parallel_loop3A_177 = arith.muli %parallel_loop3A_175, %parallel_loop3A_176 : i32
        %parallel_loop3A_178 = arith.constant 8192 : i32
        %parallel_loop3A_179 = arith.addi %parallel_loop3A_178, %parallel_loop3A_177 : i32
        %parallel_loop3A_180 = arith.index_cast %parallel_loop3A_179 : i32 to index
        %parallel_loop3A_181 = tpu.vector_load %arg5[%parallel_loop3A_180] {strides = array<i32>} : memref<16384xi32, #tpu.memory_space<vmem>>, vector<16xi32>,
        %parallel_loop3A_182 = tpu.vector_load_idx %arg6[%parallel_loop3A_181] : memref<100000xf32, #tpu.memory_space<vmem>>[vector<16xi32>], vector<16xf32>,
        %parallel_loop3A_183 = arith.constant 16 : i32
        %parallel_loop3A_184 = arith.muli %parallel_loop3A_175, %parallel_loop3A_183 : i32
        %parallel_loop3A_185 = arith.index_cast %parallel_loop3A_184 : i32 to index
        %parallel_loop3A_186 = tpu.vector_load %arg7[%parallel_loop3A_185] {strides = array<i32>} : memref<4096xf32, #tpu.memory_space<vmem>>, vector<16xf32>,
        tpu.vector_store %arg7[%parallel_loop3A_185], %parallel_loop3A_182 {strides = array<i32>} : memref<4096xf32, #tpu.memory_space<vmem>>, vector<16xf32>,
      } {sc.loop_unroll_factor = 16 : i64, sc.parallel_access}
      %dma_start3A_150 = arith.constant 8192 : i32
      %dma_start3A_151 = tpu.memref_slice %arg4[%while3A_58, %dma_start3A_150] : memref<156x16384xf32, #tpu.memory_space<hbm>> -> memref<1x4096xf32, #tpu.memory_space<hbm>>
      %dma_start3A_152 = tpu.memref_squeeze %dma_start3A_151 : memref<1x4096xf32, #tpu.memory_space<hbm>> -> memref<4096xf32, #tpu.memory_space<hbm>>
      %dma_start3A_153 = arith.constant 8192 : i32
      %dma_start3A_154 = tpu.memref_slice %arg4[%while3A_58, %dma_start3A_153] : memref<156x16384xf32, #tpu.memory_space<hbm>> -> memref<1x4096xf32, #tpu.memory_space<hbm>>
      %dma_start3A_155 = tpu.memref_squeeze %dma_start3A_154 : memref<1x4096xf32, #tpu.memory_space<hbm>> -> memref<4096xf32, #tpu.memory_space<hbm>>
      tpu.enqueue_dma source(%arg7 : memref<4096xf32, #tpu.memory_space<vmem>>) target(%dma_start3A_155 : memref<4096xf32, #tpu.memory_space<hbm>>) target_semaphore(%arg10 : memref<!tpu.dma_semaphore, #tpu.memory_space<semaphore_mem>>)
      %sub3A_156 = arith.subi %while3A_58, %select_n3A : i32
      %mul3A_157 = arith.constant 4 : i32
      %mul3A_158 = arith.muli %sub3A_156, %mul3A_157 : i32
      %add3A_159 = arith.constant 3 : i32
      %add3A_160 = arith.addi %mul3A_158, %add3A_159 : i32
      %ge3A_161 = arith.constant 2 : i32
      %ge3A_162 = arith.cmpi sge, %add3A_160, %ge3A_161 : i32
      %convert_element_type3A_163 = arith.extui %ge3A_162 : i1 to i32
      %cond3A_164 = arith.constant 0 : i32
      %cond3A_165 = arith.cmpi ne, %convert_element_type3A_163, %cond3A_164 : i32
      scf.if %cond3A_165 {
        %dma_wait3A_175 = arith.constant 12288 : i32
        %dma_wait3A_176 = tpu.memref_slice %arg4[%while3A_58, %dma_wait3A_175] : memref<156x16384xf32, #tpu.memory_space<hbm>> -> memref<1x4096xf32, #tpu.memory_space<hbm>>
        %dma_wait3A_177 = tpu.memref_squeeze %dma_wait3A_176 : memref<1x4096xf32, #tpu.memory_space<hbm>> -> memref<4096xf32, #tpu.memory_space<hbm>>
        %dma_wait3A_178 = arith.constant 12288 : i32
        %dma_wait3A_179 = tpu.memref_slice %arg4[%while3A_58, %dma_wait3A_178] : memref<156x16384xf32, #tpu.memory_space<hbm>> -> memref<1x4096xf32, #tpu.memory_space<hbm>>
        %dma_wait3A_180 = tpu.memref_squeeze %dma_wait3A_179 : memref<1x4096xf32, #tpu.memory_space<hbm>> -> memref<4096xf32, #tpu.memory_space<hbm>>
        tpu.wait_dma2 semaphore(%arg11 : memref<!tpu.dma_semaphore, #tpu.memory_space<semaphore_mem>>) src(%arg8 : memref<4096xf32, #tpu.memory_space<vmem>>) dst(%dma_wait3A_180 : memref<4096xf32, #tpu.memory_space<hbm>>)
      } else {
      }
      %parallel_loop3A_166 = arith.constant 0 : i32
      %parallel_loop3A_167 = arith.constant 256 : i32
      %parallel_loop3A_168 = arith.constant 1 : i32
      scf.for %parallel_loop3A_175 = %parallel_loop3A_166 to %parallel_loop3A_167 step %parallel_loop3A_168  : i32 {
        %parallel_loop3A_176 = arith.constant 16 : i32
        %parallel_loop3A_177 = arith.muli %parallel_loop3A_175, %parallel_loop3A_176 : i32
        %parallel_loop3A_178 = arith.constant 12288 : i32
        %parallel_loop3A_179 = arith.addi %parallel_loop3A_178, %parallel_loop3A_177 : i32
        %parallel_loop3A_180 = arith.index_cast %parallel_loop3A_179 : i32 to index
        %parallel_loop3A_181 = tpu.vector_load %arg5[%parallel_loop3A_180] {strides = array<i32>} : memref<16384xi32, #tpu.memory_space<vmem>>, vector<16xi32>,
        %parallel_loop3A_182 = tpu.vector_load_idx %arg6[%parallel_loop3A_181] : memref<100000xf32, #tpu.memory_space<vmem>>[vector<16xi32>], vector<16xf32>,
        %parallel_loop3A_183 = arith.constant 16 : i32
        %parallel_loop3A_184 = arith.muli %parallel_loop3A_175, %parallel_loop3A_183 : i32
        %parallel_loop3A_185 = arith.index_cast %parallel_loop3A_184 : i32 to index
        %parallel_loop3A_186 = tpu.vector_load %arg8[%parallel_loop3A_185] {strides = array<i32>} : memref<4096xf32, #tpu.memory_space<vmem>>, vector<16xf32>,
        tpu.vector_store %arg8[%parallel_loop3A_185], %parallel_loop3A_182 {strides = array<i32>} : memref<4096xf32, #tpu.memory_space<vmem>>, vector<16xf32>,
      } {sc.loop_unroll_factor = 16 : i64, sc.parallel_access}
      %dma_start3A_169 = arith.constant 12288 : i32
      %dma_start3A_170 = tpu.memref_slice %arg4[%while3A_58, %dma_start3A_169] : memref<156x16384xf32, #tpu.memory_space<hbm>> -> memref<1x4096xf32, #tpu.memory_space<hbm>>
      %dma_start3A_171 = tpu.memref_squeeze %dma_start3A_170 : memref<1x4096xf32, #tpu.memory_space<hbm>> -> memref<4096xf32, #tpu.memory_space<hbm>>
      %dma_start3A_172 = arith.constant 12288 : i32
      %dma_start3A_173 = tpu.memref_slice %arg4[%while3A_58, %dma_start3A_172] : memref<156x16384xf32, #tpu.memory_space<hbm>> -> memref<1x4096xf32, #tpu.memory_space<hbm>>
      %dma_start3A_174 = tpu.memref_squeeze %dma_start3A_173 : memref<1x4096xf32, #tpu.memory_space<hbm>> -> memref<4096xf32, #tpu.memory_space<hbm>>
      tpu.enqueue_dma source(%arg8 : memref<4096xf32, #tpu.memory_space<vmem>>) target(%dma_start3A_174 : memref<4096xf32, #tpu.memory_space<hbm>>) target_semaphore(%arg11 : memref<!tpu.dma_semaphore, #tpu.memory_space<semaphore_mem>>)
      scf.yield %select_n3A_83 : i32
    }
    %while3A_55 = arith.constant 1 : i32
    %while3A_56 = scf.for %while3A_58 = %while3A_52 to %while3A_48 step %while3A_55 iter_args(%while3A_59 = %while3A_54) -> (i32)  : i32 {
      %jit3A_60 = arith.constant 6 : i32
      %div3A_61 = arith.divsi %while3A_58, %jit3A_60 : i32
      %sign3A_62 = arith.constant 0 : i32
      %sign3A_63 = arith.cmpi sgt, %while3A_58, %sign3A_62 : i32
      %sign3A_64 = arith.extui %sign3A_63 : i1 to i32
      %sign3A_65 = arith.constant 0 : i32
      %sign3A_66 = arith.cmpi slt, %while3A_58, %sign3A_65 : i32
      %sign3A_67 = arith.extui %sign3A_66 : i1 to i32
      %sign3A_68 = arith.subi %sign3A_64, %sign3A_67 : i32
      %sign3A_69 = arith.constant 0 : i32
      %sign3A_70 = arith.cmpi sgt, %jit3A_60, %sign3A_69 : i32
      %sign3A_71 = arith.extui %sign3A_70 : i1 to i32
      %sign3A_72 = arith.constant 0 : i32
      %sign3A_73 = arith.cmpi slt, %jit3A_60, %sign3A_72 : i32
      %sign3A_74 = arith.extui %sign3A_73 : i1 to i32
      %sign3A_75 = arith.subi %sign3A_71, %sign3A_74 : i32
      %ne3A_76 = arith.cmpi ne, %sign3A_68, %sign3A_75 : i32
      %rem3A_77 = arith.remsi %while3A_58, %jit3A_60 : i32
      %ne3A_78 = arith.constant 0 : i32
      %ne3A_79 = arith.cmpi ne, %rem3A_77, %ne3A_78 : i32
      %and3A_80 = arith.andi %ne3A_76, %ne3A_79 : i1
      %sub3A_81 = arith.constant 1 : i32
      %sub3A_82 = arith.subi %div3A_61, %sub3A_81 : i32
      %select_n3A_83 = arith.select %and3A_80, %sub3A_82, %div3A_61 : i32
      %mul3A_84 = arith.constant 6 : i32
      %mul3A_85 = arith.muli %select_n3A_83, %mul3A_84 : i32
      %sub3A_86 = arith.subi %while3A_58, %mul3A_85 : i32
      %dma_start3A = arith.constant 0 : i32
      %dma_start3A_87 = tpu.memref_slice %arg3[%sub3A_86, %select_n3A_83, %dma_start3A] : memref<6x26x100000xf32, #tpu.memory_space<hbm>> -> memref<1x1x100000xf32, #tpu.memory_space<hbm>>
      %dma_start3A_88 = tpu.memref_squeeze %dma_start3A_87 : memref<1x1x100000xf32, #tpu.memory_space<hbm>> -> memref<100000xf32, #tpu.memory_space<hbm>>
      %dma_start3A_89 = arith.constant 0 : i32
      %dma_start3A_90 = tpu.memref_slice %arg3[%sub3A_86, %select_n3A_83, %dma_start3A_89] : memref<6x26x100000xf32, #tpu.memory_space<hbm>> -> memref<1x1x100000xf32, #tpu.memory_space<hbm>>
      %dma_start3A_91 = tpu.memref_squeeze %dma_start3A_90 : memref<1x1x100000xf32, #tpu.memory_space<hbm>> -> memref<100000xf32, #tpu.memory_space<hbm>>
      tpu.enqueue_dma source(%dma_start3A_91 : memref<100000xf32, #tpu.memory_space<hbm>>) target(%arg6 : memref<100000xf32, #tpu.memory_space<vmem>>) target_semaphore(%arg9 : memref<!tpu.dma_semaphore, #tpu.memory_space<semaphore_mem>>)
      %ne3A_92 = arith.cmpi ne, %select_n3A_83, %while3A_59 : i32
      %convert_element_type3A_93 = arith.extui %ne3A_92 : i1 to i32
      %cond3A_94 = arith.constant 0 : i32
      %cond3A_95 = arith.cmpi ne, %convert_element_type3A_93, %cond3A_94 : i32
      scf.if %cond3A_95 {
        "tpu.region"() ({
          %run_scoped3A = tpu.sem_alloc : memref<!tpu.dma_semaphore, #tpu.memory_space<semaphore_mem>>
          %dma_start3A_175 = arith.constant 0 : i32
          %dma_start3A_176 = tpu.memref_slice %arg2[%select_n3A_83, %dma_start3A_175] : memref<26x16384xi32, #tpu.memory_space<hbm>> -> memref<1x16384xi32, #tpu.memory_space<hbm>>
          %dma_start3A_177 = tpu.memref_squeeze %dma_start3A_176 : memref<1x16384xi32, #tpu.memory_space<hbm>> -> memref<16384xi32, #tpu.memory_space<hbm>>
          %dma_start3A_178 = arith.constant 0 : i32
          %dma_start3A_179 = tpu.memref_slice %arg2[%select_n3A_83, %dma_start3A_178] : memref<26x16384xi32, #tpu.memory_space<hbm>> -> memref<1x16384xi32, #tpu.memory_space<hbm>>
          %dma_start3A_180 = tpu.memref_squeeze %dma_start3A_179 : memref<1x16384xi32, #tpu.memory_space<hbm>> -> memref<16384xi32, #tpu.memory_space<hbm>>
          tpu.enqueue_dma source(%dma_start3A_180 : memref<16384xi32, #tpu.memory_space<hbm>>) target(%arg5 : memref<16384xi32, #tpu.memory_space<vmem>>) target_semaphore(%run_scoped3A : memref<!tpu.dma_semaphore, #tpu.memory_space<semaphore_mem>>)
          %dma_wait3A_181 = arith.constant 0 : i32
          %dma_wait3A_182 = tpu.memref_slice %arg2[%select_n3A_83, %dma_wait3A_181] : memref<26x16384xi32, #tpu.memory_space<hbm>> -> memref<1x16384xi32, #tpu.memory_space<hbm>>
          %dma_wait3A_183 = tpu.memref_squeeze %dma_wait3A_182 : memref<1x16384xi32, #tpu.memory_space<hbm>> -> memref<16384xi32, #tpu.memory_space<hbm>>
          %dma_wait3A_184 = arith.constant 0 : i32
          %dma_wait3A_185 = tpu.memref_slice %arg2[%select_n3A_83, %dma_wait3A_184] : memref<26x16384xi32, #tpu.memory_space<hbm>> -> memref<1x16384xi32, #tpu.memory_space<hbm>>
          %dma_wait3A_186 = tpu.memref_squeeze %dma_wait3A_185 : memref<1x16384xi32, #tpu.memory_space<hbm>> -> memref<16384xi32, #tpu.memory_space<hbm>>
          tpu.wait_dma2 semaphore(%run_scoped3A : memref<!tpu.dma_semaphore, #tpu.memory_space<semaphore_mem>>) src(%dma_wait3A_186 : memref<16384xi32, #tpu.memory_space<hbm>>) dst(%arg5 : memref<16384xi32, #tpu.memory_space<vmem>>)
          tpu.yield
        }) : () -> ()
      } else {
      }
      %dma_wait3A = arith.constant 0 : i32
      %dma_wait3A_96 = tpu.memref_slice %arg3[%sub3A_86, %select_n3A_83, %dma_wait3A] : memref<6x26x100000xf32, #tpu.memory_space<hbm>> -> memref<1x1x100000xf32, #tpu.memory_space<hbm>>
      %dma_wait3A_97 = tpu.memref_squeeze %dma_wait3A_96 : memref<1x1x100000xf32, #tpu.memory_space<hbm>> -> memref<100000xf32, #tpu.memory_space<hbm>>
      %dma_wait3A_98 = arith.constant 0 : i32
      %dma_wait3A_99 = tpu.memref_slice %arg3[%sub3A_86, %select_n3A_83, %dma_wait3A_98] : memref<6x26x100000xf32, #tpu.memory_space<hbm>> -> memref<1x1x100000xf32, #tpu.memory_space<hbm>>
      %dma_wait3A_100 = tpu.memref_squeeze %dma_wait3A_99 : memref<1x1x100000xf32, #tpu.memory_space<hbm>> -> memref<100000xf32, #tpu.memory_space<hbm>>
      tpu.wait_dma2 semaphore(%arg9 : memref<!tpu.dma_semaphore, #tpu.memory_space<semaphore_mem>>) src(%dma_wait3A_100 : memref<100000xf32, #tpu.memory_space<hbm>>) dst(%arg6 : memref<100000xf32, #tpu.memory_space<vmem>>)
      %sub3A_101 = arith.subi %while3A_58, %select_n3A : i32
      %mul3A_102 = arith.constant 4 : i32
      %mul3A_103 = arith.muli %sub3A_101, %mul3A_102 : i32
      %add3A_104 = arith.constant 0 : i32
      %add3A_105 = arith.addi %mul3A_103, %add3A_104 : i32
      %ge3A = arith.constant 2 : i32
      %ge3A_106 = arith.cmpi sge, %add3A_105, %ge3A : i32
      %convert_element_type3A_107 = arith.extui %ge3A_106 : i1 to i32
      %cond3A_108 = arith.constant 0 : i32
      %cond3A_109 = arith.cmpi ne, %convert_element_type3A_107, %cond3A_108 : i32
      scf.if %cond3A_109 {
        %dma_wait3A_175 = arith.constant 0 : i32
        %dma_wait3A_176 = tpu.memref_slice %arg4[%while3A_58, %dma_wait3A_175] : memref<156x16384xf32, #tpu.memory_space<hbm>> -> memref<1x4096xf32, #tpu.memory_space<hbm>>
        %dma_wait3A_177 = tpu.memref_squeeze %dma_wait3A_176 : memref<1x4096xf32, #tpu.memory_space<hbm>> -> memref<4096xf32, #tpu.memory_space<hbm>>
        %dma_wait3A_178 = arith.constant 0 : i32
        %dma_wait3A_179 = tpu.memref_slice %arg4[%while3A_58, %dma_wait3A_178] : memref<156x16384xf32, #tpu.memory_space<hbm>> -> memref<1x4096xf32, #tpu.memory_space<hbm>>
        %dma_wait3A_180 = tpu.memref_squeeze %dma_wait3A_179 : memref<1x4096xf32, #tpu.memory_space<hbm>> -> memref<4096xf32, #tpu.memory_space<hbm>>
        tpu.wait_dma2 semaphore(%arg10 : memref<!tpu.dma_semaphore, #tpu.memory_space<semaphore_mem>>) src(%arg7 : memref<4096xf32, #tpu.memory_space<vmem>>) dst(%dma_wait3A_180 : memref<4096xf32, #tpu.memory_space<hbm>>)
      } else {
      }
      %parallel_loop3A = arith.constant 0 : i32
      %parallel_loop3A_110 = arith.constant 256 : i32
      %parallel_loop3A_111 = arith.constant 1 : i32
      scf.for %parallel_loop3A_175 = %parallel_loop3A to %parallel_loop3A_110 step %parallel_loop3A_111  : i32 {
        %parallel_loop3A_176 = arith.constant 16 : i32
        %parallel_loop3A_177 = arith.muli %parallel_loop3A_175, %parallel_loop3A_176 : i32
        %parallel_loop3A_178 = arith.constant 0 : i32
        %parallel_loop3A_179 = arith.addi %parallel_loop3A_178, %parallel_loop3A_177 : i32
        %parallel_loop3A_180 = arith.index_cast %parallel_loop3A_179 : i32 to index
        %parallel_loop3A_181 = tpu.vector_load %arg5[%parallel_loop3A_180] {strides = array<i32>} : memref<16384xi32, #tpu.memory_space<vmem>>, vector<16xi32>,
        %parallel_loop3A_182 = tpu.vector_load_idx %arg6[%parallel_loop3A_181] : memref<100000xf32, #tpu.memory_space<vmem>>[vector<16xi32>], vector<16xf32>,
        %parallel_loop3A_183 = arith.constant 16 : i32
        %parallel_loop3A_184 = arith.muli %parallel_loop3A_175, %parallel_loop3A_183 : i32
        %parallel_loop3A_185 = arith.index_cast %parallel_loop3A_184 : i32 to index
        %parallel_loop3A_186 = tpu.vector_load %arg7[%parallel_loop3A_185] {strides = array<i32>} : memref<4096xf32, #tpu.memory_space<vmem>>, vector<16xf32>,
        tpu.vector_store %arg7[%parallel_loop3A_185], %parallel_loop3A_182 {strides = array<i32>} : memref<4096xf32, #tpu.memory_space<vmem>>, vector<16xf32>,
      } {sc.loop_unroll_factor = 16 : i64, sc.parallel_access}
      %dma_start3A_112 = arith.constant 0 : i32
      %dma_start3A_113 = tpu.memref_slice %arg4[%while3A_58, %dma_start3A_112] : memref<156x16384xf32, #tpu.memory_space<hbm>> -> memref<1x4096xf32, #tpu.memory_space<hbm>>
      %dma_start3A_114 = tpu.memref_squeeze %dma_start3A_113 : memref<1x4096xf32, #tpu.memory_space<hbm>> -> memref<4096xf32, #tpu.memory_space<hbm>>
      %dma_start3A_115 = arith.constant 0 : i32
      %dma_start3A_116 = tpu.memref_slice %arg4[%while3A_58, %dma_start3A_115] : memref<156x16384xf32, #tpu.memory_space<hbm>> -> memref<1x4096xf32, #tpu.memory_space<hbm>>
      %dma_start3A_117 = tpu.memref_squeeze %dma_start3A_116 : memref<1x4096xf32, #tpu.memory_space<hbm>> -> memref<4096xf32, #tpu.memory_space<hbm>>
      tpu.enqueue_dma source(%arg7 : memref<4096xf32, #tpu.memory_space<vmem>>) target(%dma_start3A_117 : memref<4096xf32, #tpu.memory_space<hbm>>) target_semaphore(%arg10 : memref<!tpu.dma_semaphore, #tpu.memory_space<semaphore_mem>>)
      %sub3A_118 = arith.subi %while3A_58, %select_n3A : i32
      %mul3A_119 = arith.constant 4 : i32
      %mul3A_120 = arith.muli %sub3A_118, %mul3A_119 : i32
      %add3A_121 = arith.constant 1 : i32
      %add3A_122 = arith.addi %mul3A_120, %add3A_121 : i32
      %ge3A_123 = arith.constant 2 : i32
      %ge3A_124 = arith.cmpi sge, %add3A_122, %ge3A_123 : i32
      %convert_element_type3A_125 = arith.extui %ge3A_124 : i1 to i32
      %cond3A_126 = arith.constant 0 : i32
      %cond3A_127 = arith.cmpi ne, %convert_element_type3A_125, %cond3A_126 : i32
      scf.if %cond3A_127 {
        %dma_wait3A_175 = arith.constant 4096 : i32
        %dma_wait3A_176 = tpu.memref_slice %arg4[%while3A_58, %dma_wait3A_175] : memref<156x16384xf32, #tpu.memory_space<hbm>> -> memref<1x4096xf32, #tpu.memory_space<hbm>>
        %dma_wait3A_177 = tpu.memref_squeeze %dma_wait3A_176 : memref<1x4096xf32, #tpu.memory_space<hbm>> -> memref<4096xf32, #tpu.memory_space<hbm>>
        %dma_wait3A_178 = arith.constant 4096 : i32
        %dma_wait3A_179 = tpu.memref_slice %arg4[%while3A_58, %dma_wait3A_178] : memref<156x16384xf32, #tpu.memory_space<hbm>> -> memref<1x4096xf32, #tpu.memory_space<hbm>>
        %dma_wait3A_180 = tpu.memref_squeeze %dma_wait3A_179 : memref<1x4096xf32, #tpu.memory_space<hbm>> -> memref<4096xf32, #tpu.memory_space<hbm>>
        tpu.wait_dma2 semaphore(%arg11 : memref<!tpu.dma_semaphore, #tpu.memory_space<semaphore_mem>>) src(%arg8 : memref<4096xf32, #tpu.memory_space<vmem>>) dst(%dma_wait3A_180 : memref<4096xf32, #tpu.memory_space<hbm>>)
      } else {
      }
      %parallel_loop3A_128 = arith.constant 0 : i32
      %parallel_loop3A_129 = arith.constant 256 : i32
      %parallel_loop3A_130 = arith.constant 1 : i32
      scf.for %parallel_loop3A_175 = %parallel_loop3A_128 to %parallel_loop3A_129 step %parallel_loop3A_130  : i32 {
        %parallel_loop3A_176 = arith.constant 16 : i32
        %parallel_loop3A_177 = arith.muli %parallel_loop3A_175, %parallel_loop3A_176 : i32
        %parallel_loop3A_178 = arith.constant 4096 : i32
        %parallel_loop3A_179 = arith.addi %parallel_loop3A_178, %parallel_loop3A_177 : i32
        %parallel_loop3A_180 = arith.index_cast %parallel_loop3A_179 : i32 to index
        %parallel_loop3A_181 = tpu.vector_load %arg5[%parallel_loop3A_180] {strides = array<i32>} : memref<16384xi32, #tpu.memory_space<vmem>>, vector<16xi32>,
        %parallel_loop3A_182 = tpu.vector_load_idx %arg6[%parallel_loop3A_181] : memref<100000xf32, #tpu.memory_space<vmem>>[vector<16xi32>], vector<16xf32>,
        %parallel_loop3A_183 = arith.constant 16 : i32
        %parallel_loop3A_184 = arith.muli %parallel_loop3A_175, %parallel_loop3A_183 : i32
        %parallel_loop3A_185 = arith.index_cast %parallel_loop3A_184 : i32 to index
        %parallel_loop3A_186 = tpu.vector_load %arg8[%parallel_loop3A_185] {strides = array<i32>} : memref<4096xf32, #tpu.memory_space<vmem>>, vector<16xf32>,
        tpu.vector_store %arg8[%parallel_loop3A_185], %parallel_loop3A_182 {strides = array<i32>} : memref<4096xf32, #tpu.memory_space<vmem>>, vector<16xf32>,
      } {sc.loop_unroll_factor = 16 : i64, sc.parallel_access}
      %dma_start3A_131 = arith.constant 4096 : i32
      %dma_start3A_132 = tpu.memref_slice %arg4[%while3A_58, %dma_start3A_131] : memref<156x16384xf32, #tpu.memory_space<hbm>> -> memref<1x4096xf32, #tpu.memory_space<hbm>>
      %dma_start3A_133 = tpu.memref_squeeze %dma_start3A_132 : memref<1x4096xf32, #tpu.memory_space<hbm>> -> memref<4096xf32, #tpu.memory_space<hbm>>
      %dma_start3A_134 = arith.constant 4096 : i32
      %dma_start3A_135 = tpu.memref_slice %arg4[%while3A_58, %dma_start3A_134] : memref<156x16384xf32, #tpu.memory_space<hbm>> -> memref<1x4096xf32, #tpu.memory_space<hbm>>
      %dma_start3A_136 = tpu.memref_squeeze %dma_start3A_135 : memref<1x4096xf32, #tpu.memory_space<hbm>> -> memref<4096xf32, #tpu.memory_space<hbm>>
      tpu.enqueue_dma source(%arg8 : memref<4096xf32, #tpu.memory_space<vmem>>) target(%dma_start3A_136 : memref<4096xf32, #tpu.memory_space<hbm>>) target_semaphore(%arg11 : memref<!tpu.dma_semaphore, #tpu.memory_space<semaphore_mem>>)
      %sub3A_137 = arith.subi %while3A_58, %select_n3A : i32
      %mul3A_138 = arith.constant 4 : i32
      %mul3A_139 = arith.muli %sub3A_137, %mul3A_138 : i32
      %add3A_140 = arith.constant 2 : i32
      %add3A_141 = arith.addi %mul3A_139, %add3A_140 : i32
      %ge3A_142 = arith.constant 2 : i32
      %ge3A_143 = arith.cmpi sge, %add3A_141, %ge3A_142 : i32
      %convert_element_type3A_144 = arith.extui %ge3A_143 : i1 to i32
      %cond3A_145 = arith.constant 0 : i32
      %cond3A_146 = arith.cmpi ne, %convert_element_type3A_144, %cond3A_145 : i32
      scf.if %cond3A_146 {
        %dma_wait3A_175 = arith.constant 8192 : i32
        %dma_wait3A_176 = tpu.memref_slice %arg4[%while3A_58, %dma_wait3A_175] : memref<156x16384xf32, #tpu.memory_space<hbm>> -> memref<1x4096xf32, #tpu.memory_space<hbm>>
        %dma_wait3A_177 = tpu.memref_squeeze %dma_wait3A_176 : memref<1x4096xf32, #tpu.memory_space<hbm>> -> memref<4096xf32, #tpu.memory_space<hbm>>
        %dma_wait3A_178 = arith.constant 8192 : i32
        %dma_wait3A_179 = tpu.memref_slice %arg4[%while3A_58, %dma_wait3A_178] : memref<156x16384xf32, #tpu.memory_space<hbm>> -> memref<1x4096xf32, #tpu.memory_space<hbm>>
        %dma_wait3A_180 = tpu.memref_squeeze %dma_wait3A_179 : memref<1x4096xf32, #tpu.memory_space<hbm>> -> memref<4096xf32, #tpu.memory_space<hbm>>
        tpu.wait_dma2 semaphore(%arg10 : memref<!tpu.dma_semaphore, #tpu.memory_space<semaphore_mem>>) src(%arg7 : memref<4096xf32, #tpu.memory_space<vmem>>) dst(%dma_wait3A_180 : memref<4096xf32, #tpu.memory_space<hbm>>)
      } else {
      }
      %parallel_loop3A_147 = arith.constant 0 : i32
      %parallel_loop3A_148 = arith.constant 256 : i32
      %parallel_loop3A_149 = arith.constant 1 : i32
      scf.for %parallel_loop3A_175 = %parallel_loop3A_147 to %parallel_loop3A_148 step %parallel_loop3A_149  : i32 {
        %parallel_loop3A_176 = arith.constant 16 : i32
        %parallel_loop3A_177 = arith.muli %parallel_loop3A_175, %parallel_loop3A_176 : i32
        %parallel_loop3A_178 = arith.constant 8192 : i32
        %parallel_loop3A_179 = arith.addi %parallel_loop3A_178, %parallel_loop3A_177 : i32
        %parallel_loop3A_180 = arith.index_cast %parallel_loop3A_179 : i32 to index
        %parallel_loop3A_181 = tpu.vector_load %arg5[%parallel_loop3A_180] {strides = array<i32>} : memref<16384xi32, #tpu.memory_space<vmem>>, vector<16xi32>,
        %parallel_loop3A_182 = tpu.vector_load_idx %arg6[%parallel_loop3A_181] : memref<100000xf32, #tpu.memory_space<vmem>>[vector<16xi32>], vector<16xf32>,
        %parallel_loop3A_183 = arith.constant 16 : i32
        %parallel_loop3A_184 = arith.muli %parallel_loop3A_175, %parallel_loop3A_183 : i32
        %parallel_loop3A_185 = arith.index_cast %parallel_loop3A_184 : i32 to index
        %parallel_loop3A_186 = tpu.vector_load %arg7[%parallel_loop3A_185] {strides = array<i32>} : memref<4096xf32, #tpu.memory_space<vmem>>, vector<16xf32>,
        tpu.vector_store %arg7[%parallel_loop3A_185], %parallel_loop3A_182 {strides = array<i32>} : memref<4096xf32, #tpu.memory_space<vmem>>, vector<16xf32>,
      } {sc.loop_unroll_factor = 16 : i64, sc.parallel_access}
      %dma_start3A_150 = arith.constant 8192 : i32
      %dma_start3A_151 = tpu.memref_slice %arg4[%while3A_58, %dma_start3A_150] : memref<156x16384xf32, #tpu.memory_space<hbm>> -> memref<1x4096xf32, #tpu.memory_space<hbm>>
      %dma_start3A_152 = tpu.memref_squeeze %dma_start3A_151 : memref<1x4096xf32, #tpu.memory_space<hbm>> -> memref<4096xf32, #tpu.memory_space<hbm>>
      %dma_start3A_153 = arith.constant 8192 : i32
      %dma_start3A_154 = tpu.memref_slice %arg4[%while3A_58, %dma_start3A_153] : memref<156x16384xf32, #tpu.memory_space<hbm>> -> memref<1x4096xf32, #tpu.memory_space<hbm>>
      %dma_start3A_155 = tpu.memref_squeeze %dma_start3A_154 : memref<1x4096xf32, #tpu.memory_space<hbm>> -> memref<4096xf32, #tpu.memory_space<hbm>>
      tpu.enqueue_dma source(%arg7 : memref<4096xf32, #tpu.memory_space<vmem>>) target(%dma_start3A_155 : memref<4096xf32, #tpu.memory_space<hbm>>) target_semaphore(%arg10 : memref<!tpu.dma_semaphore, #tpu.memory_space<semaphore_mem>>)
      %sub3A_156 = arith.subi %while3A_58, %select_n3A : i32
      %mul3A_157 = arith.constant 4 : i32
      %mul3A_158 = arith.muli %sub3A_156, %mul3A_157 : i32
      %add3A_159 = arith.constant 3 : i32
      %add3A_160 = arith.addi %mul3A_158, %add3A_159 : i32
      %ge3A_161 = arith.constant 2 : i32
      %ge3A_162 = arith.cmpi sge, %add3A_160, %ge3A_161 : i32
      %convert_element_type3A_163 = arith.extui %ge3A_162 : i1 to i32
      %cond3A_164 = arith.constant 0 : i32
      %cond3A_165 = arith.cmpi ne, %convert_element_type3A_163, %cond3A_164 : i32
      scf.if %cond3A_165 {
        %dma_wait3A_175 = arith.constant 12288 : i32
        %dma_wait3A_176 = tpu.memref_slice %arg4[%while3A_58, %dma_wait3A_175] : memref<156x16384xf32, #tpu.memory_space<hbm>> -> memref<1x4096xf32, #tpu.memory_space<hbm>>
        %dma_wait3A_177 = tpu.memref_squeeze %dma_wait3A_176 : memref<1x4096xf32, #tpu.memory_space<hbm>> -> memref<4096xf32, #tpu.memory_space<hbm>>
        %dma_wait3A_178 = arith.constant 12288 : i32
        %dma_wait3A_179 = tpu.memref_slice %arg4[%while3A_58, %dma_wait3A_178] : memref<156x16384xf32, #tpu.memory_space<hbm>> -> memref<1x4096xf32, #tpu.memory_space<hbm>>
        %dma_wait3A_180 = tpu.memref_squeeze %dma_wait3A_179 : memref<1x4096xf32, #tpu.memory_space<hbm>> -> memref<4096xf32, #tpu.memory_space<hbm>>
        tpu.wait_dma2 semaphore(%arg11 : memref<!tpu.dma_semaphore, #tpu.memory_space<semaphore_mem>>) src(%arg8 : memref<4096xf32, #tpu.memory_space<vmem>>) dst(%dma_wait3A_180 : memref<4096xf32, #tpu.memory_space<hbm>>)
      } else {
      }
      %parallel_loop3A_166 = arith.constant 0 : i32
      %parallel_loop3A_167 = arith.constant 256 : i32
      %parallel_loop3A_168 = arith.constant 1 : i32
      scf.for %parallel_loop3A_175 = %parallel_loop3A_166 to %parallel_loop3A_167 step %parallel_loop3A_168  : i32 {
        %parallel_loop3A_176 = arith.constant 16 : i32
        %parallel_loop3A_177 = arith.muli %parallel_loop3A_175, %parallel_loop3A_176 : i32
        %parallel_loop3A_178 = arith.constant 12288 : i32
        %parallel_loop3A_179 = arith.addi %parallel_loop3A_178, %parallel_loop3A_177 : i32
        %parallel_loop3A_180 = arith.index_cast %parallel_loop3A_179 : i32 to index
        %parallel_loop3A_181 = tpu.vector_load %arg5[%parallel_loop3A_180] {strides = array<i32>} : memref<16384xi32, #tpu.memory_space<vmem>>, vector<16xi32>,
        %parallel_loop3A_182 = tpu.vector_load_idx %arg6[%parallel_loop3A_181] : memref<100000xf32, #tpu.memory_space<vmem>>[vector<16xi32>], vector<16xf32>,
        %parallel_loop3A_183 = arith.constant 16 : i32
        %parallel_loop3A_184 = arith.muli %parallel_loop3A_175, %parallel_loop3A_183 : i32
        %parallel_loop3A_185 = arith.index_cast %parallel_loop3A_184 : i32 to index
        %parallel_loop3A_186 = tpu.vector_load %arg8[%parallel_loop3A_185] {strides = array<i32>} : memref<4096xf32, #tpu.memory_space<vmem>>, vector<16xf32>,
        tpu.vector_store %arg8[%parallel_loop3A_185], %parallel_loop3A_182 {strides = array<i32>} : memref<4096xf32, #tpu.memory_space<vmem>>, vector<16xf32>,
      } {sc.loop_unroll_factor = 16 : i64, sc.parallel_access}
      %dma_start3A_169 = arith.constant 12288 : i32
      %dma_start3A_170 = tpu.memref_slice %arg4[%while3A_58, %dma_start3A_169] : memref<156x16384xf32, #tpu.memory_space<hbm>> -> memref<1x4096xf32, #tpu.memory_space<hbm>>
      %dma_start3A_171 = tpu.memref_squeeze %dma_start3A_170 : memref<1x4096xf32, #tpu.memory_space<hbm>> -> memref<4096xf32, #tpu.memory_space<hbm>>
      %dma_start3A_172 = arith.constant 12288 : i32
      %dma_start3A_173 = tpu.memref_slice %arg4[%while3A_58, %dma_start3A_172] : memref<156x16384xf32, #tpu.memory_space<hbm>> -> memref<1x4096xf32, #tpu.memory_space<hbm>>
      %dma_start3A_174 = tpu.memref_squeeze %dma_start3A_173 : memref<1x4096xf32, #tpu.memory_space<hbm>> -> memref<4096xf32, #tpu.memory_space<hbm>>
      tpu.enqueue_dma source(%arg8 : memref<4096xf32, #tpu.memory_space<vmem>>) target(%dma_start3A_174 : memref<4096xf32, #tpu.memory_space<hbm>>) target_semaphore(%arg11 : memref<!tpu.dma_semaphore, #tpu.memory_space<semaphore_mem>>)
      scf.yield %select_n3A_83 : i32
    }
    %gt3A = arith.cmpi sgt, %select_n3A_46, %select_n3A : i32
    %convert_element_type3A = arith.extui %gt3A : i1 to i32
    %cond3A = arith.constant 0 : i32
    %cond3A_57 = arith.cmpi ne, %convert_element_type3A, %cond3A : i32
    scf.if %cond3A_57 {
      %dma_wait3A = arith.constant 0 : i32
      %dma_wait3A_58 = arith.constant 0 : i32
      %dma_wait3A_59 = tpu.memref_slice %arg4[%dma_wait3A, %dma_wait3A_58] : memref<156x16384xf32, #tpu.memory_space<hbm>> -> memref<1x4096xf32, #tpu.memory_space<hbm>>
      %dma_wait3A_60 = tpu.memref_squeeze %dma_wait3A_59 : memref<1x4096xf32, #tpu.memory_space<hbm>> -> memref<4096xf32, #tpu.memory_space<hbm>>
      %dma_wait3A_61 = arith.constant 0 : i32
      %dma_wait3A_62 = tpu.memref_slice %arg4[%dma_wait3A, %dma_wait3A_61] : memref<156x16384xf32, #tpu.memory_space<hbm>> -> memref<1x4096xf32, #tpu.memory_space<hbm>>
      %dma_wait3A_63 = tpu.memref_squeeze %dma_wait3A_62 : memref<1x4096xf32, #tpu.memory_space<hbm>> -> memref<4096xf32, #tpu.memory_space<hbm>>
      tpu.wait_dma2 semaphore(%arg10 : memref<!tpu.dma_semaphore, #tpu.memory_space<semaphore_mem>>) src(%arg7 : memref<4096xf32, #tpu.memory_space<vmem>>) dst(%dma_wait3A_63 : memref<4096xf32, #tpu.memory_space<hbm>>)
      %dma_wait3A_64 = arith.constant 0 : i32
      %dma_wait3A_65 = arith.constant 0 : i32
      %dma_wait3A_66 = tpu.memref_slice %arg4[%dma_wait3A_64, %dma_wait3A_65] : memref<156x16384xf32, #tpu.memory_space<hbm>> -> memref<1x4096xf32, #tpu.memory_space<hbm>>
      %dma_wait3A_67 = tpu.memref_squeeze %dma_wait3A_66 : memref<1x4096xf32, #tpu.memory_space<hbm>> -> memref<4096xf32, #tpu.memory_space<hbm>>
      %dma_wait3A_68 = arith.constant 0 : i32
      %dma_wait3A_69 = tpu.memref_slice %arg4[%dma_wait3A_64, %dma_wait3A_68] : memref<156x16384xf32, #tpu.memory_space<hbm>> -> memref<1x4096xf32, #tpu.memory_space<hbm>>
      %dma_wait3A_70 = tpu.memref_squeeze %dma_wait3A_69 : memref<1x4096xf32, #tpu.memory_space<hbm>> -> memref<4096xf32, #tpu.memory_space<hbm>>
      tpu.wait_dma2 semaphore(%arg11 : memref<!tpu.dma_semaphore, #tpu.memory_space<semaphore_mem>>) src(%arg8 : memref<4096xf32, #tpu.memory_space<vmem>>) dst(%dma_wait3A_70 : memref<4096xf32, #tpu.memory_space<hbm>>)
    } else {
    }
    return
  }
}

</mosaic_0001>

<sc_bundles>
// kernel: kernel.3.cloned.1.call-start
scs
__scs_entry_jumppad:
0x0: {  	(pc) =	sbr.rel $0x88, $3  }
0x1: {  	(tag) =	ssettag $0x0;
	lr =	simm.s32 $0x1  }
0x2: {  	[smem:$0x3F9F] =	sst lr;
	_ =	strace $0xD0000000  }
0x3: {  	_ = 	snop  }
0x4: {  	_ = 	snop  }
0x5: {  	_ = 	snop  }
0x6: {  	_ = 	snop  }
0x7: {  	_ = 	snop  }
__scs_overlays_trampoline_lowered:
0x8: {  	[smem:$0x3FAE] =	sst s0  }
0x9: {  	[smem:$0x3FAF] =	sst s1  }
0xa: {  	[smem:$0x3FB0] =	sst s2  }
0xb: {  	[smem:$0x3FB1] =	sst s3  }
0xc: {  	[smem:$0x3FB2] =	sst s4  }
0xd: {  	[smem:$0x3FB3] =	sst s5  }
0xe: {  	[smem:$0x3FB4] =	sst s6  }
0xf: {  	[smem:$0x3FB5] =	sst s7  }
0x10: {  	[smem:$0x3FB6] =	sst s8  }
0x11: {  	[smem:$0x3FB7] =	sst s9;
	s0 =	simm.s32 @!p0 $0x0  }
0x12: {  	s1 =	sld [smem:$0x3F9D];
	s0 =	simm.s32 @p0 $0x1  }
0x13: {  	[smem:$0x3FB8] =	sst s0;
	s0 =	simm.s32 @!p1 $0x0  }
0x14: {  	s2 =	sld [smem:$0x3F9C];
	s0 =	simm.s32 @p1 $0x1  }
0x15: {  	[smem:$0x3FB9] =	sst s0;
	s0 =	simm.s32 @!p2 $0x0  }
0x16: {  	s3 =	sld [smem:$0x3FDB];
	s0 =	simm.s32 @p2 $0x1  }
0x17: {  	s4 =	simm.s32 $0x1BF5;
	[smem:$0x3FBB] =	sst s0  }
0x18: {  	s0 =	sld [smem:$0x3F9E];
	_ =	swait.ge [sflag:s4], $0x0  }
0x19: {  	s7 =	sld [smem:$0x3F9F]  }
0x1a: {  	s8 =	sadd.s32 $0xFFFFE003, lr  }
0x1b: {  	s9 =	sadd.s32 $0xFFFFFEF7, lr;
	s5 =	simm.s32 $0xFFFFFFFF;
	p2 =	slt.u32 s8, $0xFFFFF086  }
0x1c: {  	p1 =	slt.u32 s9, $0xF7A;
	s5 =	simm.s32 @!p2 $0x0  }
0x1d: {  	s5 =	simm.s32 @p1 $0x1;
	p0 =	seq.s32 s7, s2  }
0x1e: {  	s7 =	smul.u32 @!p0 $0xF7A, s2;
	p2 =	seq.s32 @!p0 s5, $0x0  }
0x1f: {  	s9 =	smul.u32 $0xF7A, s1;
	s8 =	simm.s32 @!p0 $0x1BF5;
	p2 =	por !p2, p0  }
0x20: {  	[sflag:s8] =	ssyncset.s32 @!p0 $0xFFFFF086;
	s6 =	sadd.s32 @!p0 s3, s7;
	s7 =	simm.s32 @!p0 $0x108  }
0x21: {  	s3 =	sadd.s32 s3, s9;
	s6 =	sadd.s32 @!p0 $0x88, s6;
	s7 =	simm.s32 @p2 $0x1082  }
0x22: {  	[simem:s7], [sflag:s8] =	dma.local @!p0 [hbm:s6], $0xF7A  }
0x23: {  	s9 =	sor.u32 $0xD0000000, s2;
	s6 =	simm.s32 $0x108;
	_ =	swait.ge @!p0 [sflag:s8], $0x0  }
0x24: {  	s3 =	sadd.s32 $0x88, s3;
	s6 =	simm.s32 @!p1 $0x1082;
	[sflag:s4] =	ssyncset.s32 $0xFFFFF086  }
0x25: {  	[simem:s6], [sflag:s4] =	dma.local [hbm:s3], $0xF7A  }
0x26: {  	[smem:$0x3F9F] =	sst s1;
	(tag) =	ssettag s2;
	_ =	strace s9  }
0x27: {  	s1 =	sld [smem:$0x3FAF]  }
0x28: {  	s2 =	sld [smem:$0x3FB0]  }
0x29: {  	s4 =	sld [smem:$0x3FB2]  }
0x2a: {  	p0 =	seq.s32 s5, $0x0;
	s5 =	sld [smem:$0x3FB3]  }
0x2b: {  	s6 =	sld [smem:$0x3FB4]  }
0x2c: {  	s7 =	sld [smem:$0x3FB5]  }
0x2d: {  	s3 =	simm.s32 $0x108;
	s8 =	sld [smem:$0x3FB6]  }
0x2e: {  	s3 =	simm.s32 @!p0 $0x1082;
	s9 =	sld [smem:$0x3FB7]  }
0x2f: {  	lr =	sadd.s32 s0, s3;
	s0 =	sld [smem:$0x3FAE]  }
0x30: {  	s3 =	sld [smem:$0x3FB1]  }
0x31: {  	[smem:$0x3FBA] =	sst s10  }
0x32: {  	s10 =	sld [smem:$0x3FB8];
	_ =	sdelay $0x3  }
0x33: {  	p0 =	seq.s32 s10, $0x1;
	s10 =	sld [smem:$0x3FBA];
	_ =	sdelay $0x3  }
0x34: {  	[smem:$0x3FBA] =	sst s10  }
0x35: {  	s10 =	sld [smem:$0x3FB9];
	_ =	sdelay $0x3  }
0x36: {  	p1 =	seq.s32 s10, $0x1;
	s10 =	sld [smem:$0x3FBA];
	_ =	sdelay $0x3  }
0x37: {  	[smem:$0x3FBA] =	sst s10  }
0x38: {  	s10 =	sld [smem:$0x3FBB]  }
0x39: {  	_ = 	snop;
	(pc) =	sbr.ind lr, $3  }
0x3a: {  	_ = 	snop  }
0x3b: {  	_ = 	snop  }
0x3c: {  	p2 =	seq.s32 s10, $0x1;
	s10 =	sld [smem:$0x3FBA]  }
0x3d: {  	_ =	shalt  }
0x3e: {  	_ =	shalt  }
0x3f: {  	_ =	shalt  }
0x40: {  	_ =	shalt  }
0x41: {  	_ =	shalt  }
0x42: {  	_ =	shalt  }
0x43: {  	_ =	shalt  }
0x44: {  	_ =	shalt  }
0x45: {  	_ =	shalt  }
0x46: {  	_ =	shalt  }
0x47: {  	_ =	shalt  }
0x48: {  	_ =	shalt  }
0x49: {  	_ =	shalt  }
0x4a: {  	_ =	shalt  }
0x4b: {  	_ =	shalt  }
0x4c: {  	_ =	shalt  }
0x4d: {  	_ =	shalt  }
0x4e: {  	_ =	shalt  }
0x4f: {  	_ =	shalt  }
0x50: {  	_ =	shalt  }
0x51: {  	_ =	shalt  }
0x52: {  	_ =	shalt  }
0x53: {  	_ =	shalt  }
0x54: {  	_ =	shalt  }
0x55: {  	_ =	shalt  }
0x56: {  	_ =	shalt  }
0x57: {  	_ =	shalt  }
0x58: {  	_ =	shalt  }
0x59: {  	_ =	shalt  }
0x5a: {  	_ =	shalt  }
0x5b: {  	_ =	shalt  }
0x5c: {  	_ =	shalt  }
0x5d: {  	_ =	shalt  }
0x5e: {  	_ =	shalt  }
0x5f: {  	_ =	shalt  }
0x60: {  	_ =	shalt  }
0x61: {  	_ =	shalt  }
0x62: {  	_ =	shalt  }
0x63: {  	_ =	shalt  }
0x64: {  	_ =	shalt  }
0x65: {  	_ =	shalt  }
0x66: {  	_ =	shalt  }
0x67: {  	_ =	shalt  }
0x68: {  	_ =	shalt  }
0x69: {  	_ =	shalt  }
0x6a: {  	_ =	shalt  }
0x6b: {  	_ =	shalt  }
0x6c: {  	_ =	shalt  }
0x6d: {  	_ =	shalt  }
0x6e: {  	_ =	shalt  }
0x6f: {  	_ =	shalt  }
0x70: {  	_ =	shalt  }
0x71: {  	_ =	shalt  }
0x72: {  	_ =	shalt  }
0x73: {  	_ =	shalt  }
0x74: {  	_ =	shalt  }
0x75: {  	_ =	shalt  }
0x76: {  	_ =	shalt  }
0x77: {  	_ =	shalt  }
0x78: {  	_ =	shalt  }
0x79: {  	_ =	shalt  }
0x7a: {  	_ =	shalt  }
0x7b: {  	_ =	shalt  }
0x7c: {  	_ =	shalt  }
0x7d: {  	_ =	shalt  }
0x7e: {  	_ =	shalt  }
0x7f: {  	_ =	shalt  }
0x80: {  	_ =	shalt  }
0x81: {  	_ =	shalt  }
0x82: {  	_ =	shalt  }
0x83: {  	_ =	shalt  }
0x84: {  	_ =	shalt  }
0x85: {  	_ =	shalt  }
0x86: {  	_ =	shalt  }
0x87: {  	_ =	shalt  }
.Lfunc_end0:
.L_simem_size_0:
called_computation_lowered:
.L_overlay_start_0:
0x88: {  	s2 =	sld [smem:$0x3FD9]  }
0x89: {  	s3 =	sld [smem:$0x3FFE];
	_ =	sdelay $0x1  }
0x8a: {  	s1 =	srdreg.scid  }
0x8b: {  	s0 =	sand.u32 $0x1, s1  }
0x8c: {  	s18 =	sshll.u32 s0, $0xA;
	s2 =	sadd.s32 s3, s2  }
0x8d: {  	s2 =	sadd.s32 s2, s18  }
0x8e: {  	[smem:$0x3FC6] =	sst s2  }
0x8f: {  	_ = 	snop  }
0x90: {  	s2 =	sld [smem:$0x3FC9]  }
0x91: {  	s19 =	sld [smem:$0x3FC8]  }
0x92: {  	s4 =	sld [smem:$0x3FD0];
	(tm) =	ssettm $0x1  }
0x93: {  	s5 =	sld [smem:$0x3FFB];
	_ =	sdelay $0x3  }
0x94: {  	_ =	strace s5  }
0x95: {  	s5 =	sld [smem:$0x3FFC];
	_ =	sdelay $0x3  }
0x96: {  	_ =	strace s5  }
0x97: {  	s5 =	sld [smem:$0x3FFD];
	_ =	sdelay $0x3  }
0x98: {  	_ =	strace s5  }
0x99: {  	_ =	strace $0x8FFFFFFF  }
0x9a: {  	s20 =	sld [smem:$0x3FDB];
	_ =	sdelay $0x1  }
0x9b: {  	s6 =	simm.s32 $_scs_section_size  }
0x9c: {  	s7 =	simm.s32 $_size__tile_overlayer_lowered;
	s8 =	simm.s32 $_tile_overlayer_lowered  }
0x9d: {  	s23 =	simm.s32 $0x1BFF;
	s22 =	sshll.u32 s8, $0x1;
	s5 =	sadd.s32 s6, s20  }
0x9e: {  	s9 =	simm.s32 $0x0;
	s21 =	sshll.u32 s7, $0x1;
	s7 =	sadd.s32 s22, s5  }
0x9f: {  	[timem:s9], [sflag:s23] =	dma.local [hbm:s7], s21  }
0xa0: {  	_ =	swait.ge [sflag:s23], s21  }
0xa1: {  	s6 =	ssub.s32 $0x0, s21;
	[sflag:s23] =	ssyncset.done $0x0  }
0xa2: {  	[sflag:s23] =	ssyncadd.s32 s6;
	_ =	sdelay $0x1  }
0xa3: {  	s24 =	simm.s32 $0x1B8B  }
0xa4: {  	_ =	swait.ge [sflag:s24], $0x1  }
0xa5: {  	[sflag:s24] =	ssyncset.done $0x0  }
0xa6: {  	s25 =	simm.s32 $0x1B8E;
	[sflag:s24] =	ssyncadd.s32 $0xFFFFFFFF  }
0xa7: {  	s26 =	simm.s32 $execute0_lowered;
	[smem:$0x3FD2] =	sst s25  }
0xa8: {  	s6 =	sshll.u32 s26, $0x1;
	_ =	strace $0x80000046;
	[dreg:$0x1] =	wrdreg $0xFFFFFFFF  }
0xa9: {  	s28 =	simm.s32 $_size_execute0_lowered;
	s5 =	sadd.s32 s5, s6;
	[dreg:$0x0] =	wrdreg $0x0  }
0xaa: {  	s6 =	sshll.u32 s28, $0x1;
	[dreg:$0x2] =	wrdreg s5  }
0xab: {  	[dreg:$0x3] =	wrdreg s6  }
0xac: {  	[dreg:$0x4] =	wrdreg $0xC0  }
0xad: {  	_ =	task [dreg:s9], $0x5FFFF  }
0xae: {  	[dreg:$0x1] =	wrdreg $0xFFFFFFFF  }
0xaf: {  	[dreg:$0x0] =	wrdreg $0x60  }
0xb0: {  	[dreg:$0x2] =	wrdreg s2  }
0xb1: {  	[dreg:$0x3] =	wrdreg s19  }
0xb2: {  	[dreg:$0x4] =	wrdreg s4  }
0xb3: {  	[dreg:$0x5] =	wrdreg $0x9  }
0xb4: {  	_ =	task.clear_ibuf [dreg:s9], $0x6FFFF;
	_ =	strace $0x90000046  }
0xb5: {  	s29 =	simm.s32 $0x9;
	_ =	strace $0x80000048  }
0xb6: {  	_ =	swait.ge [sflag:s29], $0x1  }
0xb7: {  	[sflag:s29] =	ssyncadd.s32 $0xFFFFFFFF  }
0xb8: {  	_ =	strace $0x90000048  }
0xb9: {  	_ =	sfence  }
0xba: {  	s30 =	sld [smem:$0x0];
	_ =	sdelay $0x2  }
0xbb: {  	s31 =	sshll.u32 s1, $0xD;
	s1 =	sshrl.u32 s1, $0x2  }
0xbc: {  	s3 =	sand.u32 $0x4000, s31;
	s1 =	sadd.s32 s1, s30  }
0xbd: {  	s0 =	sor.u32 s3, s0;
	s1 =	sshll.u32 s1, $0x11  }
0xbe: {  	s0 =	sor.u32 s1, s0  }
0xbf: {  	s0 =	sadd.s32 $0x8F2B, s0  }
0xc0: {  	[sflag:s0] =	ssyncadd.remote.s32 $0x1  }
0xc1: {  	_ =	sfence.sel $0xFFFF  }
0xc2: {  	[dreg:$0x0] =	wrdreg $0xFFFFFFFF;
	(pc) =	sbr.abs _section_cstart, $3  }
0xc3: {  	[dreg:$0x1] =	wrdreg $0xFFFFFFFF  }
0xc4: {  	_ =	task.clear_ibuf [dreg:s9], $0x2FFFF;
	_ =	strace $0x9FFFFFFF  }
0xc5: {  	(tm) =	ssettm $0x7FFFFFFF  }
tec
execute0_lowered:
.L_overlay_start_1:
0x0: {  	(tag) =	ssettag $0x1  }
0x1: {  	s1 =	rddreg [dreg:$0x0]  }
0x2: {  	s3 =	rddreg [dreg:$0x1];
	s2 =	srdreg.scid  }
0x3: {  	s0 =	stileid.u32;
	s4 =	rddreg [dreg:$0x2];
	s12 =	simm.s32 $0x80  }
0x4: {  	s13 =	simm.s32 $0x400;
	s14 =	simm.s32 $0x4000;
	s15 =	simm.s32 $0x1  }
0x5: {  	s16 =	simm.s32 $0x1C700;
	s6 =	sand.u32 $0x1, s2;
	s5 =	sshll.u32 s0, $0x1  }
0x6: {  	s17 =	simm.s32 $0x1D700;
	s18 =	simm.s32 $0x2;
	s7 =	sor.u32 s6, s5  }
0x7: {  	s19 =	simm.s32 $0x3;
	s2 =	rddreg [dreg:$0x3];
	s7 =	smul.u32 $0x9C, s7  }
.Ltmp0:
0x8: {  	s9 =	sadd.s32 $0x2000, s4;
	s5 =	simm.s32 $0x0;
	(pc) =	sbr.rel .LBB2_1-.Ltmp0, $4  }
0x9: {  	s10 =	sadd.s32 $0x3000, s4;
	s6 =	ssub.s32 $0x2, s6;
	[smem:$0x7FF] =	sst s5  }
0xa: {  	s8 =	sshrl.u32 s6, $0x1;
	_ =	strace $0x80000047;
	s31 =	sadd.s32 $0x9C, s7  }
0xb: {  	s11 =	ssub.s32 s6, s8;
	s6 =	sshrl.u32 s7, $0x5;
	s7 =	sshrl.u32 s31, $0x5  }
0xc: {  	s8 =	sadd.s32 $0x1000, s4;
	s11 =	smax.u32 s11, $0x1;
	p0 =	sge.u32 s6, s7  }
.LBB2_12:
0xd: {  	s5 =	sadd.s32 $0x1, s5  }
0xe: {  	p1 =	sne.s32 s5, s11  }
.Ltmp1:
0xf: {  	_ = 	snop;
	(pc) =	sbr.rel @!p1 .LBB2_13-.Ltmp1, $1  }
0x10: {  	_ =	sdelay $0x3  }
.LBB2_1:
.Ltmp2:
0x11: {  	(pc) =	sbr.rel @p0 .LBB2_12-.Ltmp2, $2  }
0x12: {  	_ =	sdelay $0x2  }
0x13: {  	s20 =	simm.s32 $0xFFFFFFFF;
	s21 =	smov.u32 s6  }
.LBB2_2:
0x14: {  	s22 =	smulhi.u32 $0xAAAAAAAB, s21;
	_ =	sdelay $0x1  }
0x15: {  	s23 =	smov.u32 s20;
	s20 =	sshrl.u32 s22, $0x2  }
0x16: {  	s24 =	smul.u32 $0xFFFFFFFA, s20  }
0x17: {  	s25 =	sshrl.u32 s22, $0x5  }
0x18: {  	s26 =	smul.u32 $0xC3800, s25;
	s24 =	sadd.s32 s21, s24  }
0x19: {  	s24 =	smul.u32 $0x30E000, s24  }
0x1a: {  	s22 =	sshll.u32 s22, $0x5  }
0x1b: {  	s22 =	sand.u32 $0x380, s22;
	p1 =	seq.s32 s20, s23;
	s24 =	sadd.s32 s26, s24  }
0x1c: {  	s23 =	sshll.u32 @!p1 s25, $0x11;
	s24 =	sor.u32 s22, s24  }
0x1d: {  	s22 =	sor.u32 @!p1 s22, s23;
	s24 =	sshrl.u32 s24, $0x3  }
0x1e: {  	s25 =	simm.s32 @!p1 $0x0;
	s22 =	sshrl.u32 @!p1 s22, $0x3;
	s24 =	sadd.s32 s3, s24  }
0x1f: {  	[tilespmem:s14], [sflag:$0x1] =	stream.strided.gather [hbm4b:s24+s12], $0x18700, s13, s12, $0x38;
	[tilespmem:$0x1E700] =	vst v63  }
0x20: {  	s23 =	simm.s32 @!p1 $0x80;
	s22 =	sadd.s32 @!p1 s1, s22;
	s24 =	simm.s32 @!p1 $0x400  }
0x21: {  	[tilespmem:s25], [sflag:$0x4] =	stream.strided.gather @!p1 [hbm4b:s22+s23], $0x4000, s24, s23, $0x38;
	[tilespmem:$0x1E700] =	vst v63  }
0x22: {  	s22 =	simm.s32 @!p1 $0x4  }
0x23: {  	_ =	swait.ge @!p1 [sflag:s22], $0x4000  }
0x24: {  	[sflag:s22] =	ssyncset.done @!p1 $0x0  }
0x25: {  	s30 =	ssub.s32 s21, s6;
	[sflag:s22] =	ssyncadd.s32 @!p1 $0xFFFFC000  }
0x26: {  	s22 =	sand.u32 $0x3FFFFFFF, s30;
	_ =	swait.ge [sflag:s15], $0x18700  }
0x27: {  	p1 =	seq.s32 s22, $0x0;
	[sflag:s15] =	ssyncset.done $0x0  }
0x28: {  	s22 =	simm.s32 @!p1 $0x2;
	[sflag:s15] =	ssyncadd.s32 $0xFFFE7900  }
0x29: {  	_ =	swait.ge @!p1 [sflag:s22], $0x1000  }
0x2a: {  	[sflag:s22] =	ssyncset.done @!p1 $0x0  }
0x2b: {  	s31 =	simm.s32 $0x80;
	[sflag:s22] =	ssyncadd.s32 @!p1 $0xFFFFF000  }
0x2c: {  	v0 =	vld [tilespmem:s31+$0x70]  }
0x2d: {  	v1 =	vld [tilespmem:s31+$0xFFFFFF90]  }
0x2e: {  	v2 =	vld [tilespmem:s31+$0xFFFFFFA0]  }
0x2f: {  	v3 =	vld [tilespmem:s31+$0xFFFFFFB0]  }
0x30: {  	v4 =	vld [tilespmem:s31+$0xFFFFFFC0]  }
0x31: {  	v5 =	vld [tilespmem:s31+$0xFFFFFFD0]  }
0x32: {  	v6 =	vld [tilespmem:s31+$0xFFFFFFE0]  }
0x33: {  	v7 =	vld [tilespmem:s31+$0xFFFFFFF0]  }
0x34: {  	v8 =	vld [tilespmem:s31+$0x0]  }
0x35: {  	v9 =	vld [tilespmem:s31+$0x10]  }
0x36: {  	v10 =	vld [tilespmem:s31+$0x20]  }
0x37: {  	v11 =	vld [tilespmem:s31+$0x30]  }
0x38: {  	v12 =	vld [tilespmem:s31+$0x40]  }
0x39: {  	v13 =	vld [tilespmem:s31+$0x50]  }
0x3a: {  	v14 =	vld [tilespmem:s31+$0x60]  }
0x3b: {  	v15 =	vld [tilespmem:s31+$0xFFFFFF80]  }
0x3c: {  	v0 =	vld.idx.msk [tilespmem:v0+s14+$0x0], $0xffff  }
0x3d: {  	v1 =	vld.idx.msk [tilespmem:v1+s14+$0x0], $0xffff  }
0x3e: {  	v2 =	vld.idx.msk [tilespmem:v2+s14+$0x0], $0xffff  }
0x3f: {  	v3 =	vld.idx.msk [tilespmem:v3+s14+$0x0], $0xffff  }
0x40: {  	v4 =	vld.idx.msk [tilespmem:v4+s14+$0x0], $0xffff  }
0x41: {  	s23 =	simm.s32 $0x1C780;
	v5 =	vld.idx.msk [tilespmem:v5+s14+$0x0], $0xffff  }
0x42: {  	[tilespmem:s23+$0x70] =	vst v0;
	v0 =	vld.idx.msk [tilespmem:v6+s14+$0x0], $0xffff  }
0x43: {  	[tilespmem:s23+$0xFFFFFF90] =	vst v1;
	v1 =	vld.idx.msk [tilespmem:v7+s14+$0x0], $0xffff  }
0x44: {  	v6 =	vld.idx.msk [tilespmem:v15+s14+$0x0], $0xffff;
	[tilespmem:s23+$0xFFFFFFA0] =	vst v2  }
0x45: {  	[tilespmem:s23+$0xFFFFFFB0] =	vst v3;
	v3 =	vld.idx.msk [tilespmem:v8+s14+$0x0], $0xffff  }
0x46: {  	[tilespmem:s23+$0xFFFFFFC0] =	vst v4;
	v4 =	vld.idx.msk [tilespmem:v9+s14+$0x0], $0xffff  }
0x47: {  	[tilespmem:s23+$0xFFFFFFD0] =	vst v5;
	v5 =	vld.idx.msk [tilespmem:v10+s14+$0x0], $0xffff  }
0x48: {  	v2 =	vld.idx.msk [tilespmem:v11+s14+$0x0], $0xffff;
	[tilespmem:s23+$0xFFFFFFE0] =	vst v0  }
0x49: {  	[tilespmem:s23+$0xFFFFFFF0] =	vst v1;
	v0 =	vld.idx.msk [tilespmem:v12+s14+$0x0], $0xffff  }
0x4a: {  	[tilespmem:s23+$0xFFFFFF80] =	vst v6;
	v1 =	vld.idx.msk [tilespmem:v13+s14+$0x0], $0xffff  }
0x4b: {  	s24 =	simm.s32 $0x180;
	s22 =	simm.s32 $0x0;
	[tilespmem:s23+$0x0] =	vst v3;
	v3 =	vld.idx.msk [tilespmem:v14+s14+$0x0], $0xffff  }
.LBB2_3:
0x4c: {  	v6 =	vld [tilespmem:s24+$0x70];
	s22 =	sadd.s32 $0x10, s22;
	[tilespmem:s23+$0x10] =	vst v4  }
0x4d: {  	v4 =	vld [tilespmem:s24+$0xFFFFFF90];
	p2 =	slt.u32 s22, $0xF0;
	[tilespmem:s23+$0x20] =	vst v5  }
0x4e: {  	v5 =	vld [tilespmem:s24+$0xFFFFFFA0];
	[tilespmem:s23+$0x30] =	vst v2  }
0x4f: {  	v2 =	vld [tilespmem:s24+$0xFFFFFFB0];
	[tilespmem:s23+$0x40] =	vst v0  }
0x50: {  	v0 =	vld [tilespmem:s24+$0xFFFFFFC0];
	[tilespmem:s23+$0x50] =	vst v1  }
0x51: {  	v1 =	vld [tilespmem:s24+$0xFFFFFFD0];
	[tilespmem:s23+$0x60] =	vst v3  }
0x52: {  	v3 =	vld [tilespmem:s24+$0xFFFFFFE0]  }
0x53: {  	v7 =	vld [tilespmem:s24+$0xFFFFFFF0]  }
0x54: {  	v6 =	vld.idx.msk [tilespmem:v6+s14+$0x0], $0xffff  }
0x55: {  	v8 =	vld [tilespmem:s24+$0x0]  }
0x56: {  	v9 =	vld [tilespmem:s24+$0x10]  }
0x57: {  	v10 =	vld [tilespmem:s24+$0x20]  }
0x58: {  	v11 =	vld [tilespmem:s24+$0x30]  }
0x59: {  	s23 =	sadd.s32 $0x100, s23;
	v12 =	vld [tilespmem:s24+$0x40]  }
0x5a: {  	v13 =	vld [tilespmem:s24+$0x50];
	[tilespmem:s23+$0x70] =	vst v6  }
0x5b: {  	v6 =	vld [tilespmem:s24+$0x60]  }
0x5c: {  	v14 =	vld [tilespmem:s24+$0xFFFFFF80]  }
0x5d: {  	v4 =	vld.idx.msk [tilespmem:v4+s14+$0x0], $0xffff  }
0x5e: {  	v5 =	vld.idx.msk [tilespmem:v5+s14+$0x0], $0xffff  }
0x5f: {  	v2 =	vld.idx.msk [tilespmem:v2+s14+$0x0], $0xffff  }
0x60: {  	v0 =	vld.idx.msk [tilespmem:v0+s14+$0x0], $0xffff  }
0x61: {  	v1 =	vld.idx.msk [tilespmem:v1+s14+$0x0], $0xffff  }
0x62: {  	v3 =	vld.idx.msk [tilespmem:v3+s14+$0x0], $0xffff  }
0x63: {  	[tilespmem:s23+$0xFFFFFF90] =	vst v4;
	v7 =	vld.idx.msk [tilespmem:v7+s14+$0x0], $0xffff  }
0x64: {  	v14 =	vld.idx.msk [tilespmem:v14+s14+$0x0], $0xffff;
	[tilespmem:s23+$0xFFFFFFA0] =	vst v5  }
0x65: {  	[tilespmem:s23+$0xFFFFFFB0] =	vst v2;
	v8 =	vld.idx.msk [tilespmem:v8+s14+$0x0], $0xffff  }
0x66: {  	[tilespmem:s23+$0xFFFFFFC0] =	vst v0;
	v4 =	vld.idx.msk [tilespmem:v9+s14+$0x0], $0xffff  }
.Ltmp3:
0x67: {  	[tilespmem:s23+$0xFFFFFFD0] =	vst v1;
	v5 =	vld.idx.msk [tilespmem:v10+s14+$0x0], $0xffff;
	(pc) =	sbr.rel @p2 .LBB2_3-.Ltmp3, $4  }
0x68: {  	[tilespmem:s23+$0xFFFFFFE0] =	vst v3;
	v2 =	vld.idx.msk [tilespmem:v11+s14+$0x0], $0xffff  }
0x69: {  	[tilespmem:s23+$0xFFFFFFF0] =	vst v7;
	v0 =	vld.idx.msk [tilespmem:v12+s14+$0x0], $0xffff  }
0x6a: {  	[tilespmem:s23+$0xFFFFFF80] =	vst v14;
	v1 =	vld.idx.msk [tilespmem:v13+s14+$0x0], $0xffff  }
0x6b: {  	s24 =	sadd.s32 $0x100, s24;
	[tilespmem:s23+$0x0] =	vst v8;
	v3 =	vld.idx.msk [tilespmem:v6+s14+$0x0], $0xffff  }
0x6c: {  	[tilespmem:s23+$0x10] =	vst v4  }
0x6d: {  	[tilespmem:s23+$0x20] =	vst v5;
	s22 =	sshll.u32 s21, $0xE;
	s24 =	sshll.u32 s21, $0x7  }
0x6e: {  	[tilespmem:s23+$0x30] =	vst v2;
	s22 =	sand.u32 $0xFFFE0000, s22;
	s24 =	sand.u32 $0x380, s24  }
0x6f: {  	[tilespmem:s23+$0x40] =	vst v0;
	s22 =	sor.u32 s24, s22  }
0x70: {  	[tilespmem:s23+$0x50] =	vst v1;
	s22 =	sshrl.u32 s22, $0x3  }
0x71: {  	[tilespmem:s23+$0x60] =	vst v3;
	s30 =	sadd.s32 s4, s22;
	s23 =	simm.s32 @!p1 $0x3  }
0x72: {  	[hbm4b:s30+s12] =	stream.strided.scatter [tilespmem:s16], [sflag:$0x2], $0x1000, s13, s12, $0x38;
	[tilespmem:$0x1E700] =	vst v63  }
0x73: {  	_ =	swait.ge @!p1 [sflag:s23], $0x1000  }
0x74: {  	[sflag:s23] =	ssyncset.done @!p1 $0x0  }
0x75: {  	s31 =	simm.s32 $0x10F0;
	[sflag:s23] =	ssyncadd.s32 @!p1 $0xFFFFF000  }
0x76: {  	v0 =	vld [tilespmem:s31+$0x0]  }
0x77: {  	v1 =	vld [tilespmem:s31+$0xFFFFFF20]  }
0x78: {  	v2 =	vld [tilespmem:s31+$0xFFFFFF30]  }
0x79: {  	v3 =	vld [tilespmem:s31+$0xFFFFFF40]  }
0x7a: {  	v4 =	vld [tilespmem:s31+$0xFFFFFF50]  }
0x7b: {  	v5 =	vld [tilespmem:s31+$0xFFFFFF60]  }
0x7c: {  	v6 =	vld [tilespmem:s31+$0xFFFFFF70]  }
0x7d: {  	v7 =	vld [tilespmem:s31+$0xFFFFFF80]  }
0x7e: {  	v8 =	vld [tilespmem:s31+$0xFFFFFF90]  }
0x7f: {  	v9 =	vld [tilespmem:s31+$0xFFFFFFA0]  }
0x80: {  	v10 =	vld [tilespmem:s31+$0xFFFFFFB0]  }
0x81: {  	v11 =	vld [tilespmem:s31+$0xFFFFFFC0]  }
0x82: {  	v12 =	vld [tilespmem:s31+$0xFFFFFFD0]  }
0x83: {  	v13 =	vld [tilespmem:s31+$0xFFFFFFE0]  }
0x84: {  	v14 =	vld [tilespmem:s31+$0xFFFFFFF0]  }
0x85: {  	v15 =	vld [tilespmem:s31+$0xFFFFFF10]  }
0x86: {  	v0 =	vld.idx.msk [tilespmem:v0+s14+$0x0], $0xffff  }
0x87: {  	v1 =	vld.idx.msk [tilespmem:v1+s14+$0x0], $0xffff  }
0x88: {  	v2 =	vld.idx.msk [tilespmem:v2+s14+$0x0], $0xffff  }
0x89: {  	v3 =	vld.idx.msk [tilespmem:v3+s14+$0x0], $0xffff  }
0x8a: {  	v4 =	vld.idx.msk [tilespmem:v4+s14+$0x0], $0xffff  }
0x8b: {  	s23 =	simm.s32 $0x1D780;
	v5 =	vld.idx.msk [tilespmem:v5+s14+$0x0], $0xffff  }
0x8c: {  	v6 =	vld.idx.msk [tilespmem:v6+s14+$0x0], $0xffff;
	[tilespmem:s23+$0x70] =	vst v0  }
0x8d: {  	v7 =	vld.idx.msk [tilespmem:v7+s14+$0x0], $0xffff;
	[tilespmem:s23+$0xFFFFFF90] =	vst v1  }
0x8e: {  	v15 =	vld.idx.msk [tilespmem:v15+s14+$0x0], $0xffff;
	[tilespmem:s23+$0xFFFFFFA0] =	vst v2  }
0x8f: {  	v8 =	vld.idx.msk [tilespmem:v8+s14+$0x0], $0xffff;
	[tilespmem:s23+$0xFFFFFFB0] =	vst v3  }
0x90: {  	[tilespmem:s23+$0xFFFFFFC0] =	vst v4;
	v0 =	vld.idx.msk [tilespmem:v9+s14+$0x0], $0xffff  }
0x91: {  	[tilespmem:s23+$0xFFFFFFD0] =	vst v5;
	v1 =	vld.idx.msk [tilespmem:v10+s14+$0x0], $0xffff  }
0x92: {  	[tilespmem:s23+$0xFFFFFFE0] =	vst v6;
	v2 =	vld.idx.msk [tilespmem:v11+s14+$0x0], $0xffff  }
0x93: {  	[tilespmem:s23+$0xFFFFFFF0] =	vst v7;
	v3 =	vld.idx.msk [tilespmem:v12+s14+$0x0], $0xffff  }
0x94: {  	[tilespmem:s23+$0xFFFFFF80] =	vst v15;
	v4 =	vld.idx.msk [tilespmem:v13+s14+$0x0], $0xffff  }
0x95: {  	s25 =	simm.s32 $0x11F0;
	s24 =	simm.s32 $0x0;
	[tilespmem:s23+$0x0] =	vst v8;
	v5 =	vld.idx.msk [tilespmem:v14+s14+$0x0], $0xffff  }
.LBB2_5:
0x96: {  	v6 =	vld [tilespmem:s25+$0x0];
	s24 =	sadd.s32 $0x10, s24;
	[tilespmem:s23+$0x10] =	vst v0  }
0x97: {  	v0 =	vld [tilespmem:s25+$0xFFFFFF20];
	p1 =	slt.u32 s24, $0xF0;
	[tilespmem:s23+$0x20] =	vst v1  }
0x98: {  	v1 =	vld [tilespmem:s25+$0xFFFFFF30];
	[tilespmem:s23+$0x30] =	vst v2  }
0x99: {  	v2 =	vld [tilespmem:s25+$0xFFFFFF40];
	[tilespmem:s23+$0x40] =	vst v3  }
0x9a: {  	v3 =	vld [tilespmem:s25+$0xFFFFFF50];
	[tilespmem:s23+$0x50] =	vst v4  }
0x9b: {  	v4 =	vld [tilespmem:s25+$0xFFFFFF60];
	[tilespmem:s23+$0x60] =	vst v5  }
0x9c: {  	v5 =	vld [tilespmem:s25+$0xFFFFFF70]  }
0x9d: {  	v7 =	vld [tilespmem:s25+$0xFFFFFF80]  }
0x9e: {  	v6 =	vld.idx.msk [tilespmem:v6+s14+$0x0], $0xffff  }
0x9f: {  	v8 =	vld [tilespmem:s25+$0xFFFFFF90]  }
0xa0: {  	v9 =	vld [tilespmem:s25+$0xFFFFFFA0]  }
0xa1: {  	v10 =	vld [tilespmem:s25+$0xFFFFFFB0]  }
0xa2: {  	v11 =	vld [tilespmem:s25+$0xFFFFFFC0]  }
0xa3: {  	s23 =	sadd.s32 $0x100, s23;
	v12 =	vld [tilespmem:s25+$0xFFFFFFD0]  }
0xa4: {  	v13 =	vld [tilespmem:s25+$0xFFFFFFE0];
	[tilespmem:s23+$0x70] =	vst v6  }
0xa5: {  	v6 =	vld [tilespmem:s25+$0xFFFFFFF0]  }
0xa6: {  	v14 =	vld [tilespmem:s25+$0xFFFFFF10]  }
0xa7: {  	v0 =	vld.idx.msk [tilespmem:v0+s14+$0x0], $0xffff  }
0xa8: {  	v1 =	vld.idx.msk [tilespmem:v1+s14+$0x0], $0xffff  }
0xa9: {  	v2 =	vld.idx.msk [tilespmem:v2+s14+$0x0], $0xffff  }
0xaa: {  	v3 =	vld.idx.msk [tilespmem:v3+s14+$0x0], $0xffff  }
0xab: {  	v4 =	vld.idx.msk [tilespmem:v4+s14+$0x0], $0xffff  }
0xac: {  	v5 =	vld.idx.msk [tilespmem:v5+s14+$0x0], $0xffff  }
0xad: {  	[tilespmem:s23+$0xFFFFFF90] =	vst v0;
	v7 =	vld.idx.msk [tilespmem:v7+s14+$0x0], $0xffff  }
0xae: {  	v14 =	vld.idx.msk [tilespmem:v14+s14+$0x0], $0xffff;
	[tilespmem:s23+$0xFFFFFFA0] =	vst v1  }
0xaf: {  	[tilespmem:s23+$0xFFFFFFB0] =	vst v2;
	v8 =	vld.idx.msk [tilespmem:v8+s14+$0x0], $0xffff  }
0xb0: {  	[tilespmem:s23+$0xFFFFFFC0] =	vst v3;
	v0 =	vld.idx.msk [tilespmem:v9+s14+$0x0], $0xffff  }
.Ltmp4:
0xb1: {  	[tilespmem:s23+$0xFFFFFFD0] =	vst v4;
	v1 =	vld.idx.msk [tilespmem:v10+s14+$0x0], $0xffff;
	(pc) =	sbr.rel @p1 .LBB2_5-.Ltmp4, $4  }
0xb2: {  	[tilespmem:s23+$0xFFFFFFE0] =	vst v5;
	v2 =	vld.idx.msk [tilespmem:v11+s14+$0x0], $0xffff  }
0xb3: {  	[tilespmem:s23+$0xFFFFFFF0] =	vst v7;
	v3 =	vld.idx.msk [tilespmem:v12+s14+$0x0], $0xffff  }
0xb4: {  	[tilespmem:s23+$0xFFFFFF80] =	vst v14;
	v4 =	vld.idx.msk [tilespmem:v13+s14+$0x0], $0xffff  }
0xb5: {  	s25 =	sadd.s32 $0x100, s25;
	[tilespmem:s23+$0x0] =	vst v8;
	v5 =	vld.idx.msk [tilespmem:v6+s14+$0x0], $0xffff  }
0xb6: {  	[tilespmem:s23+$0x10] =	vst v0  }
0xb7: {  	[tilespmem:s23+$0x20] =	vst v1  }
0xb8: {  	[tilespmem:s23+$0x30] =	vst v2  }
0xb9: {  	[tilespmem:s23+$0x40] =	vst v3  }
0xba: {  	[tilespmem:s23+$0x50] =	vst v4  }
0xbb: {  	s30 =	sadd.s32 s22, s8;
	[tilespmem:s23+$0x60] =	vst v5  }
0xbc: {  	[hbm4b:s30+s12] =	stream.strided.scatter [tilespmem:s17], [sflag:$0x3], $0x1000, s13, s12, $0x38;
	[tilespmem:$0x1E700] =	vst v63  }
0xbd: {  	_ =	swait.ge [sflag:s18], $0x1000  }
0xbe: {  	[sflag:s18] =	ssyncset.done $0x0  }
0xbf: {  	s31 =	simm.s32 $0x20F0;
	[sflag:s18] =	ssyncadd.s32 $0xFFFFF000  }
0xc0: {  	v0 =	vld [tilespmem:s31+$0x0]  }
0xc1: {  	v1 =	vld [tilespmem:s31+$0xFFFFFF20]  }
0xc2: {  	v2 =	vld [tilespmem:s31+$0xFFFFFF30]  }
0xc3: {  	v3 =	vld [tilespmem:s31+$0xFFFFFF40]  }
0xc4: {  	v4 =	vld [tilespmem:s31+$0xFFFFFF50]  }
0xc5: {  	v5 =	vld [tilespmem:s31+$0xFFFFFF60]  }
0xc6: {  	v6 =	vld [tilespmem:s31+$0xFFFFFF70]  }
0xc7: {  	v7 =	vld [tilespmem:s31+$0xFFFFFF80]  }
0xc8: {  	v8 =	vld [tilespmem:s31+$0xFFFFFF90]  }
0xc9: {  	v9 =	vld [tilespmem:s31+$0xFFFFFFA0]  }
0xca: {  	v10 =	vld [tilespmem:s31+$0xFFFFFFB0]  }
0xcb: {  	v11 =	vld [tilespmem:s31+$0xFFFFFFC0]  }
0xcc: {  	v12 =	vld [tilespmem:s31+$0xFFFFFFD0]  }
0xcd: {  	v13 =	vld [tilespmem:s31+$0xFFFFFFE0]  }
0xce: {  	v14 =	vld [tilespmem:s31+$0xFFFFFFF0]  }
0xcf: {  	v15 =	vld [tilespmem:s31+$0xFFFFFF10]  }
0xd0: {  	v0 =	vld.idx.msk [tilespmem:v0+s14+$0x0], $0xffff  }
0xd1: {  	v1 =	vld.idx.msk [tilespmem:v1+s14+$0x0], $0xffff  }
0xd2: {  	v2 =	vld.idx.msk [tilespmem:v2+s14+$0x0], $0xffff  }
0xd3: {  	v3 =	vld.idx.msk [tilespmem:v3+s14+$0x0], $0xffff  }
0xd4: {  	v4 =	vld.idx.msk [tilespmem:v4+s14+$0x0], $0xffff  }
0xd5: {  	s23 =	simm.s32 $0x1C780;
	v5 =	vld.idx.msk [tilespmem:v5+s14+$0x0], $0xffff  }
0xd6: {  	v6 =	vld.idx.msk [tilespmem:v6+s14+$0x0], $0xffff;
	[tilespmem:s23+$0x70] =	vst v0  }
0xd7: {  	v7 =	vld.idx.msk [tilespmem:v7+s14+$0x0], $0xffff;
	[tilespmem:s23+$0xFFFFFF90] =	vst v1  }
0xd8: {  	v15 =	vld.idx.msk [tilespmem:v15+s14+$0x0], $0xffff;
	[tilespmem:s23+$0xFFFFFFA0] =	vst v2  }
0xd9: {  	v8 =	vld.idx.msk [tilespmem:v8+s14+$0x0], $0xffff;
	[tilespmem:s23+$0xFFFFFFB0] =	vst v3  }
0xda: {  	[tilespmem:s23+$0xFFFFFFC0] =	vst v4;
	v0 =	vld.idx.msk [tilespmem:v9+s14+$0x0], $0xffff  }
0xdb: {  	[tilespmem:s23+$0xFFFFFFD0] =	vst v5;
	v1 =	vld.idx.msk [tilespmem:v10+s14+$0x0], $0xffff  }
0xdc: {  	[tilespmem:s23+$0xFFFFFFE0] =	vst v6;
	v2 =	vld.idx.msk [tilespmem:v11+s14+$0x0], $0xffff  }
0xdd: {  	[tilespmem:s23+$0xFFFFFFF0] =	vst v7;
	v3 =	vld.idx.msk [tilespmem:v12+s14+$0x0], $0xffff  }
0xde: {  	[tilespmem:s23+$0xFFFFFF80] =	vst v15;
	v4 =	vld.idx.msk [tilespmem:v13+s14+$0x0], $0xffff  }
0xdf: {  	s24 =	simm.s32 $0x0;
	s25 =	simm.s32 $0x21F0;
	[tilespmem:s23+$0x0] =	vst v8;
	v5 =	vld.idx.msk [tilespmem:v14+s14+$0x0], $0xffff  }
.LBB2_7:
0xe0: {  	v6 =	vld [tilespmem:s25+$0x0];
	s24 =	sadd.s32 $0x10, s24;
	[tilespmem:s23+$0x10] =	vst v0  }
0xe1: {  	v0 =	vld [tilespmem:s25+$0xFFFFFF20];
	p1 =	slt.u32 s24, $0xF0;
	[tilespmem:s23+$0x20] =	vst v1  }
0xe2: {  	v1 =	vld [tilespmem:s25+$0xFFFFFF30];
	[tilespmem:s23+$0x30] =	vst v2  }
0xe3: {  	v2 =	vld [tilespmem:s25+$0xFFFFFF40];
	[tilespmem:s23+$0x40] =	vst v3  }
0xe4: {  	v3 =	vld [tilespmem:s25+$0xFFFFFF50];
	[tilespmem:s23+$0x50] =	vst v4  }
0xe5: {  	v4 =	vld [tilespmem:s25+$0xFFFFFF60];
	[tilespmem:s23+$0x60] =	vst v5  }
0xe6: {  	v5 =	vld [tilespmem:s25+$0xFFFFFF70]  }
0xe7: {  	v7 =	vld [tilespmem:s25+$0xFFFFFF80]  }
0xe8: {  	v6 =	vld.idx.msk [tilespmem:v6+s14+$0x0], $0xffff  }
0xe9: {  	v8 =	vld [tilespmem:s25+$0xFFFFFF90]  }
0xea: {  	v9 =	vld [tilespmem:s25+$0xFFFFFFA0]  }
0xeb: {  	v10 =	vld [tilespmem:s25+$0xFFFFFFB0]  }
0xec: {  	v11 =	vld [tilespmem:s25+$0xFFFFFFC0]  }
0xed: {  	s23 =	sadd.s32 $0x100, s23;
	v12 =	vld [tilespmem:s25+$0xFFFFFFD0]  }
0xee: {  	v13 =	vld [tilespmem:s25+$0xFFFFFFE0];
	[tilespmem:s23+$0x70] =	vst v6  }
0xef: {  	v6 =	vld [tilespmem:s25+$0xFFFFFFF0]  }
0xf0: {  	v14 =	vld [tilespmem:s25+$0xFFFFFF10]  }
0xf1: {  	v0 =	vld.idx.msk [tilespmem:v0+s14+$0x0], $0xffff  }
0xf2: {  	v1 =	vld.idx.msk [tilespmem:v1+s14+$0x0], $0xffff  }
0xf3: {  	v2 =	vld.idx.msk [tilespmem:v2+s14+$0x0], $0xffff  }
0xf4: {  	v3 =	vld.idx.msk [tilespmem:v3+s14+$0x0], $0xffff  }
0xf5: {  	v4 =	vld.idx.msk [tilespmem:v4+s14+$0x0], $0xffff  }
0xf6: {  	v5 =	vld.idx.msk [tilespmem:v5+s14+$0x0], $0xffff  }
0xf7: {  	[tilespmem:s23+$0xFFFFFF90] =	vst v0;
	v7 =	vld.idx.msk [tilespmem:v7+s14+$0x0], $0xffff  }
0xf8: {  	v14 =	vld.idx.msk [tilespmem:v14+s14+$0x0], $0xffff;
	[tilespmem:s23+$0xFFFFFFA0] =	vst v1  }
0xf9: {  	[tilespmem:s23+$0xFFFFFFB0] =	vst v2;
	v8 =	vld.idx.msk [tilespmem:v8+s14+$0x0], $0xffff  }
0xfa: {  	[tilespmem:s23+$0xFFFFFFC0] =	vst v3;
	v0 =	vld.idx.msk [tilespmem:v9+s14+$0x0], $0xffff  }
.Ltmp5:
0xfb: {  	[tilespmem:s23+$0xFFFFFFD0] =	vst v4;
	v1 =	vld.idx.msk [tilespmem:v10+s14+$0x0], $0xffff;
	(pc) =	sbr.rel @p1 .LBB2_7-.Ltmp5, $4  }
0xfc: {  	[tilespmem:s23+$0xFFFFFFE0] =	vst v5;
	v2 =	vld.idx.msk [tilespmem:v11+s14+$0x0], $0xffff  }
0xfd: {  	[tilespmem:s23+$0xFFFFFFF0] =	vst v7;
	v3 =	vld.idx.msk [tilespmem:v12+s14+$0x0], $0xffff  }
0xfe: {  	[tilespmem:s23+$0xFFFFFF80] =	vst v14;
	v4 =	vld.idx.msk [tilespmem:v13+s14+$0x0], $0xffff  }
0xff: {  	s25 =	sadd.s32 $0x100, s25;
	[tilespmem:s23+$0x0] =	vst v8;
	v5 =	vld.idx.msk [tilespmem:v6+s14+$0x0], $0xffff  }
0x100: {  	[tilespmem:s23+$0x10] =	vst v0  }
0x101: {  	[tilespmem:s23+$0x20] =	vst v1  }
0x102: {  	[tilespmem:s23+$0x30] =	vst v2  }
0x103: {  	[tilespmem:s23+$0x40] =	vst v3  }
0x104: {  	[tilespmem:s23+$0x50] =	vst v4  }
0x105: {  	s30 =	sadd.s32 s22, s9;
	[tilespmem:s23+$0x60] =	vst v5  }
0x106: {  	[hbm4b:s30+s12] =	stream.strided.scatter [tilespmem:s16], [sflag:$0x2], $0x1000, s13, s12, $0x38;
	[tilespmem:$0x1E700] =	vst v63  }
0x107: {  	_ =	swait.ge [sflag:s19], $0x1000  }
0x108: {  	[sflag:s19] =	ssyncset.done $0x0  }
0x109: {  	s31 =	simm.s32 $0x30F0;
	[sflag:s19] =	ssyncadd.s32 $0xFFFFF000  }
0x10a: {  	v0 =	vld [tilespmem:s31+$0x0]  }
0x10b: {  	v1 =	vld [tilespmem:s31+$0xFFFFFF20]  }
0x10c: {  	v2 =	vld [tilespmem:s31+$0xFFFFFF30]  }
0x10d: {  	v3 =	vld [tilespmem:s31+$0xFFFFFF40]  }
0x10e: {  	v4 =	vld [tilespmem:s31+$0xFFFFFF50]  }
0x10f: {  	v5 =	vld [tilespmem:s31+$0xFFFFFF60]  }
0x110: {  	v6 =	vld [tilespmem:s31+$0xFFFFFF70]  }
0x111: {  	v7 =	vld [tilespmem:s31+$0xFFFFFF80]  }
0x112: {  	v8 =	vld [tilespmem:s31+$0xFFFFFF90]  }
0x113: {  	v9 =	vld [tilespmem:s31+$0xFFFFFFA0]  }
0x114: {  	v10 =	vld [tilespmem:s31+$0xFFFFFFB0]  }
0x115: {  	v11 =	vld [tilespmem:s31+$0xFFFFFFC0]  }
0x116: {  	v12 =	vld [tilespmem:s31+$0xFFFFFFD0]  }
0x117: {  	v13 =	vld [tilespmem:s31+$0xFFFFFFE0]  }
0x118: {  	v14 =	vld [tilespmem:s31+$0xFFFFFFF0]  }
0x119: {  	v15 =	vld [tilespmem:s31+$0xFFFFFF10]  }
0x11a: {  	v0 =	vld.idx.msk [tilespmem:v0+s14+$0x0], $0xffff  }
0x11b: {  	v1 =	vld.idx.msk [tilespmem:v1+s14+$0x0], $0xffff  }
0x11c: {  	v2 =	vld.idx.msk [tilespmem:v2+s14+$0x0], $0xffff  }
0x11d: {  	v3 =	vld.idx.msk [tilespmem:v3+s14+$0x0], $0xffff  }
0x11e: {  	v4 =	vld.idx.msk [tilespmem:v4+s14+$0x0], $0xffff  }
0x11f: {  	s23 =	simm.s32 $0x1D780;
	v5 =	vld.idx.msk [tilespmem:v5+s14+$0x0], $0xffff  }
0x120: {  	v6 =	vld.idx.msk [tilespmem:v6+s14+$0x0], $0xffff;
	[tilespmem:s23+$0x70] =	vst v0  }
0x121: {  	v7 =	vld.idx.msk [tilespmem:v7+s14+$0x0], $0xffff;
	[tilespmem:s23+$0xFFFFFF90] =	vst v1  }
0x122: {  	v15 =	vld.idx.msk [tilespmem:v15+s14+$0x0], $0xffff;
	[tilespmem:s23+$0xFFFFFFA0] =	vst v2  }
0x123: {  	v8 =	vld.idx.msk [tilespmem:v8+s14+$0x0], $0xffff;
	[tilespmem:s23+$0xFFFFFFB0] =	vst v3  }
0x124: {  	[tilespmem:s23+$0xFFFFFFC0] =	vst v4;
	v0 =	vld.idx.msk [tilespmem:v9+s14+$0x0], $0xffff  }
0x125: {  	[tilespmem:s23+$0xFFFFFFD0] =	vst v5;
	v1 =	vld.idx.msk [tilespmem:v10+s14+$0x0], $0xffff  }
0x126: {  	[tilespmem:s23+$0xFFFFFFE0] =	vst v6;
	v2 =	vld.idx.msk [tilespmem:v11+s14+$0x0], $0xffff  }
0x127: {  	[tilespmem:s23+$0xFFFFFFF0] =	vst v7;
	v3 =	vld.idx.msk [tilespmem:v12+s14+$0x0], $0xffff  }
0x128: {  	[tilespmem:s23+$0xFFFFFF80] =	vst v15;
	v4 =	vld.idx.msk [tilespmem:v13+s14+$0x0], $0xffff  }
0x129: {  	s24 =	simm.s32 $0x0;
	s25 =	simm.s32 $0x31F0;
	[tilespmem:s23+$0x0] =	vst v8;
	v5 =	vld.idx.msk [tilespmem:v14+s14+$0x0], $0xffff  }
.LBB2_9:
0x12a: {  	v6 =	vld [tilespmem:s25+$0x0];
	s24 =	sadd.s32 $0x10, s24;
	[tilespmem:s23+$0x10] =	vst v0  }
0x12b: {  	v0 =	vld [tilespmem:s25+$0xFFFFFF20];
	p1 =	slt.u32 s24, $0xF0;
	[tilespmem:s23+$0x20] =	vst v1  }
0x12c: {  	v1 =	vld [tilespmem:s25+$0xFFFFFF30];
	[tilespmem:s23+$0x30] =	vst v2  }
0x12d: {  	v2 =	vld [tilespmem:s25+$0xFFFFFF40];
	[tilespmem:s23+$0x40] =	vst v3  }
0x12e: {  	v3 =	vld [tilespmem:s25+$0xFFFFFF50];
	[tilespmem:s23+$0x50] =	vst v4  }
0x12f: {  	v4 =	vld [tilespmem:s25+$0xFFFFFF60];
	[tilespmem:s23+$0x60] =	vst v5  }
0x130: {  	v5 =	vld [tilespmem:s25+$0xFFFFFF70]  }
0x131: {  	v7 =	vld [tilespmem:s25+$0xFFFFFF80]  }
0x132: {  	v6 =	vld.idx.msk [tilespmem:v6+s14+$0x0], $0xffff  }
0x133: {  	v8 =	vld [tilespmem:s25+$0xFFFFFF90]  }
0x134: {  	v9 =	vld [tilespmem:s25+$0xFFFFFFA0]  }
0x135: {  	v10 =	vld [tilespmem:s25+$0xFFFFFFB0]  }
0x136: {  	v11 =	vld [tilespmem:s25+$0xFFFFFFC0]  }
0x137: {  	s23 =	sadd.s32 $0x100, s23;
	v12 =	vld [tilespmem:s25+$0xFFFFFFD0]  }
0x138: {  	v13 =	vld [tilespmem:s25+$0xFFFFFFE0];
	[tilespmem:s23+$0x70] =	vst v6  }
0x139: {  	v6 =	vld [tilespmem:s25+$0xFFFFFFF0]  }
0x13a: {  	v14 =	vld [tilespmem:s25+$0xFFFFFF10]  }
0x13b: {  	v0 =	vld.idx.msk [tilespmem:v0+s14+$0x0], $0xffff  }
0x13c: {  	v1 =	vld.idx.msk [tilespmem:v1+s14+$0x0], $0xffff  }
0x13d: {  	v2 =	vld.idx.msk [tilespmem:v2+s14+$0x0], $0xffff  }
0x13e: {  	v3 =	vld.idx.msk [tilespmem:v3+s14+$0x0], $0xffff  }
0x13f: {  	v4 =	vld.idx.msk [tilespmem:v4+s14+$0x0], $0xffff  }
0x140: {  	v5 =	vld.idx.msk [tilespmem:v5+s14+$0x0], $0xffff  }
0x141: {  	[tilespmem:s23+$0xFFFFFF90] =	vst v0;
	v7 =	vld.idx.msk [tilespmem:v7+s14+$0x0], $0xffff  }
0x142: {  	v14 =	vld.idx.msk [tilespmem:v14+s14+$0x0], $0xffff;
	[tilespmem:s23+$0xFFFFFFA0] =	vst v1  }
0x143: {  	[tilespmem:s23+$0xFFFFFFB0] =	vst v2;
	v8 =	vld.idx.msk [tilespmem:v8+s14+$0x0], $0xffff  }
0x144: {  	[tilespmem:s23+$0xFFFFFFC0] =	vst v3;
	v0 =	vld.idx.msk [tilespmem:v9+s14+$0x0], $0xffff  }
.Ltmp6:
0x145: {  	[tilespmem:s23+$0xFFFFFFD0] =	vst v4;
	v1 =	vld.idx.msk [tilespmem:v10+s14+$0x0], $0xffff;
	(pc) =	sbr.rel @p1 .LBB2_9-.Ltmp6, $4  }
0x146: {  	[tilespmem:s23+$0xFFFFFFE0] =	vst v5;
	v2 =	vld.idx.msk [tilespmem:v11+s14+$0x0], $0xffff  }
0x147: {  	[tilespmem:s23+$0xFFFFFFF0] =	vst v7;
	v3 =	vld.idx.msk [tilespmem:v12+s14+$0x0], $0xffff  }
0x148: {  	[tilespmem:s23+$0xFFFFFF80] =	vst v14;
	v4 =	vld.idx.msk [tilespmem:v13+s14+$0x0], $0xffff  }
0x149: {  	s25 =	sadd.s32 $0x100, s25;
	[tilespmem:s23+$0x0] =	vst v8;
	v5 =	vld.idx.msk [tilespmem:v6+s14+$0x0], $0xffff  }
0x14a: {  	[tilespmem:s23+$0x10] =	vst v0;
	s21 =	sadd.s32 $0x1, s21  }
0x14b: {  	[tilespmem:s23+$0x20] =	vst v1;
	p1 =	sne.s32 s21, s7  }
.Ltmp7:
0x14c: {  	[tilespmem:s23+$0x30] =	vst v2;
	(pc) =	sbr.rel @p1 .LBB2_2-.Ltmp7, $4  }
0x14d: {  	[tilespmem:s23+$0x40] =	vst v3  }
0x14e: {  	[tilespmem:s23+$0x50] =	vst v4  }
0x14f: {  	s22 =	sadd.s32 s22, s10;
	[tilespmem:s23+$0x60] =	vst v5  }
0x150: {  	[hbm4b:s22+s12] =	stream.strided.scatter [tilespmem:s17], [sflag:$0x3], $0x1000, s13, s12, $0x38;
	[tilespmem:$0x1E700] =	vst v63  }
0x151: {  	_ =	swait.ge [sflag:s18], $0x1000  }
.Ltmp8:
0x152: {  	[sflag:s18] =	ssyncset.done $0x0;
	(pc) =	sbr.rel .LBB2_12-.Ltmp8, $4  }
0x153: {  	[sflag:s18] =	ssyncadd.s32 $0xFFFFF000  }
0x154: {  	_ =	swait.ge [sflag:s19], $0x1000  }
0x155: {  	[sflag:s19] =	ssyncset.done $0x0  }
0x156: {  	[sflag:s19] =	ssyncadd.s32 $0xFFFFF000  }
.LBB2_13:
0x157: {  	_ =	sfence.sel $0x180000  }
0x158: {  	[bflag:$0x0] =	sbarrier.arrive $0xFFFF  }
0x159: {  	p0 =	sne.s32 s0, $0x0;
	_ =	strace $0x90000047  }
0x15a: {  	s0 =	sadd.s32 @!p0 $0x100000, s2;
	[bflag:$0x2] =	sbarrier.arrive $0xFFFF  }
0x15b: {  	[sflag:s0] =	ssyncadd.tile.s32 @!p0 $0x1;
	_ =	shalt  }
.Lfunc_end2:
_tile_overlayer_lowered:
.L_overlay_start_2:
0x15c: {  	(tag) =	ssettag $0x2  }
0x15d: {  	s0 =	rddreg [dreg:$0x0];
	s2 =	stileid.u32  }
0x15e: {  	s1 =	rddreg [dreg:$0x1];
	p0 =	sne.s32 s2, $0x0  }
0x15f: {  	s3 =	rddreg [dreg:$0x2];
	[bflag:$0x3] =	sbarrier.arrive $0xFFFF;
	s2 =	simm.s32 @!p0 $0x1C04  }
0x160: {  	[timem:s3], [sflag:s2] =	dma.local @!p0 [hbm:s0], s1  }
0x161: {  	s0 =	simm.s32 @!p0 $0x4  }
0x162: {  	_ =	swait.ge @!p0 [sflag:s0], s1  }
0x163: {  	s1 =	ssub.s32 @!p0 $0x0, s1;
	[sflag:s0] =	ssyncset.done @!p0 $0x0  }
0x164: {  	[sflag:s0] =	ssyncadd.s32 @!p0 s1  }
0x165: {  	[bflag:$0x3] =	sbarrier.arrive $0xFFFF  }
0x166: {  	_ =	shalt  }

</sc_bundles>
